<compile_context>
chip_gen: v7x
topology: tpu7x:2x2x1
jax: 0.10.2.dev20260603
libtpu: 0.0.44.dev20260713+nightly
codegen_flags: <defaults>
</compile_context>

<pallas_src>
import jax
import jax.numpy as jnp
from jax import lax
from jax.experimental import pallas as pl

B = 32
N_PATCH = 256
DIM = 1024
TOKEN = 768
NUM_K = 32
TOPK = 16
LAYERS = 2
HEADS = 8
EPS = 0.02
N = NUM_K + N_PATCH
HD = DIM // HEADS

_F32 = jnp.float32
_HI = lax.Precision.HIGHEST


def _layer_norm(x, g, b):
    m = x.mean(-1, keepdims=True)
    v = ((x - m) ** 2).mean(-1, keepdims=True)
    return (x - m) / jnp.sqrt(v + 1e-5) * g + b


def _attn(x, Wq, bq, Wkv, bkv, Wo, bo):
    b, n, c = x.shape
    hd = c // HEADS
    q = (x @ Wq + bq).reshape(b, n, HEADS, hd)
    kv = (x @ Wkv + bkv).reshape(b, n, 2, HEADS, hd)
    k = kv[:, :, 0]
    v = kv[:, :, 1]
    scale = hd ** -0.5
    att = jnp.einsum('bnhd,bmhd->bnmh', q, k) * scale
    att = jax.nn.softmax(att, axis=2)
    out = jnp.einsum('bnmh,bmhd->bnhd', att, v).reshape(b, n, c)
    return out @ Wo + bo


def _select_kernel(lat_ref, p_ref, sel_ref, nr_ref):
    rT = lax.broadcasted_iota(jnp.int32, (TOKEN, TOKEN), 0)
    cT = lax.broadcasted_iota(jnp.int32, (TOKEN, TOKEN), 1)
    eyeT = (rT == cT).astype(_F32)
    PT = lax.dot_general(eyeT, p_ref[...], (((1,), (1,)), ((), ())),
                         preferred_element_type=_F32, precision=_HI)
    lat_flat = lat_ref[...].reshape(B * NUM_K, TOKEN)
    Lfull = lax.dot_general(lat_flat, PT, (((1,), (0,)), ((), ())),
                            preferred_element_type=_F32)
    L3 = Lfull.reshape(B, NUM_K, B)
    s3 = lax.broadcasted_iota(jnp.int32, (B, NUM_K, B), 0)
    t3 = lax.broadcasted_iota(jnp.int32, (B, NUM_K, B), 2)
    diag = jnp.sum(jnp.where(s3 == t3, L3, 0.0), axis=2)
    L = lax.dot_general(diag, (lax.broadcasted_iota(jnp.int32, (B, B), 0)
                               == lax.broadcasted_iota(jnp.int32, (B, B), 1)
                               ).astype(_F32), (((0,), (0,)), ((), ())),
                        preferred_element_type=_F32, precision=_HI)
    m = jnp.max(L, axis=0, keepdims=True)
    e = jnp.exp(L - m)
    AW = e / jnp.sum(e, axis=0, keepdims=True)

    r32 = lax.broadcasted_iota(jnp.int32, (NUM_K, NUM_K), 0)
    c32 = lax.broadcasted_iota(jnp.int32, (NUM_K, NUM_K), 1)
    eye32 = (r32 == c32).astype(_F32)
    AWT = lax.dot_general(AW, eye32, (((0,), (0,)), ((), ())),
                          preferred_element_type=_F32, precision=_HI)

    a_i = AWT[:, :, None]
    a_j = AWT[:, None, :]
    i3 = lax.broadcasted_iota(jnp.int32, (B, NUM_K, NUM_K), 1)
    j3 = lax.broadcasted_iota(jnp.int32, (B, NUM_K, NUM_K), 2)
    gt = (a_j > a_i) | ((a_j == a_i) & (j3 < i3))
    rank = jnp.sum(gt.astype(_F32), axis=2)

    count = jnp.sum((AW > EPS).astype(_F32), axis=0, keepdims=True)
    num_r_row = jnp.clip(jnp.minimum(count, float(TOPK)), 1.0, float(TOPK))
    num_r = lax.dot_general(eye32, num_r_row, (((1,), (1,)), ((), ())),
                            preferred_element_type=_F32, precision=_HI)

    kk3 = lax.broadcasted_iota(jnp.int32, (B, TOPK, NUM_K), 1).astype(_F32)
    ii3 = lax.broadcasted_iota(jnp.int32, (B, TOPK, NUM_K), 2).astype(_F32)
    S3 = (rank[:, None, :] == kk3).astype(_F32)
    sorted_idx = jnp.sum(S3 * ii3, axis=2)

    kkey = lax.broadcasted_iota(jnp.int32, (B, TOPK), 1).astype(_F32)
    keys = jnp.where(kkey < num_r, sorted_idx, float(NUM_K) + kkey)

    k_i = keys[:, :, None]
    k_j = keys[:, None, :]
    lt = (k_j < k_i).astype(_F32)
    rank2 = jnp.sum(lt, axis=2)
    kk2 = lax.broadcasted_iota(jnp.int32, (B, TOPK, TOPK), 1).astype(_F32)
    jj2 = lax.broadcasted_iota(jnp.int32, (B, TOPK, TOPK), 2).astype(_F32)
    P3 = (rank2[:, None, :] == kk2).astype(_F32)
    select_id = jnp.sum(P3 * (sorted_idx[:, None, :]), axis=2)

    cg3 = lax.broadcasted_iota(jnp.int32, (B, TOPK, NUM_K), 2).astype(_F32)
    G3 = (select_id[:, :, None] == cg3).astype(_F32)
    for s in range(B):
        sel = jnp.dot(G3[s], lat_ref[s], preferred_element_type=_F32,
                      precision=_HI)
        nrm = jnp.sqrt(jnp.sum(sel * sel, axis=1, keepdims=True))
        sel_ref[s] = sel / jnp.maximum(nrm, 1e-12)
    nr_ref[...] = jnp.broadcast_to(num_r, (B, 128))


def _select_stage(latent, proj):
    sel, nr = pl.pallas_call(
        _select_kernel,
        grid=(1,),
        in_specs=[
            pl.BlockSpec((B, NUM_K, TOKEN), lambda b: (0, 0, 0)),
            pl.BlockSpec((B, TOKEN), lambda b: (0, 0)),
        ],
        out_specs=[
            pl.BlockSpec((B, TOPK, TOKEN), lambda b: (0, 0, 0)),
            pl.BlockSpec((B, 128), lambda b: (0, 0)),
        ],
        out_shape=[
            jax.ShapeDtypeStruct((B, TOPK, TOKEN), _F32),
            jax.ShapeDtypeStruct((B, 128), _F32),
        ],
    )(latent, proj)
    return sel, nr[:, 0].astype(jnp.int32)


def kernel(img_feature_proj, img_patch_feats, templates, Wq, bq, Wkv, bkv,
           Wo, bo, ln1_g, ln1_b, ln2_g, ln2_b, W1, b1, W2, b2, Wfc, bfc):
    bsz = img_patch_feats.shape[0]
    init_t = jnp.broadcast_to(templates, (bsz, NUM_K, DIM))
    x = jnp.concatenate([init_t, img_patch_feats], axis=1)
    for l in range(LAYERS):
        x = x + _attn(_layer_norm(x, ln1_g[l], ln1_b[l]), Wq[l], bq[l],
                      Wkv[l], bkv[l], Wo[l], bo[l])
        h = _layer_norm(x, ln2_g[l], ln2_b[l])
        h = jax.nn.relu(h @ W1[l] + b1[l]) @ W2[l] + b2[l]
        x = x + h
    latent = jax.nn.sigmoid(x[:, :NUM_K, :] @ Wfc + bfc)
    sel, num_r = _select_stage(latent, img_feature_proj)
    return sel, num_r

# --- scband reference (transcript-rebuilt; emitter-appended) ---
"""Pipeline reference for scband-img2-textlocal-49014166782024 (READ-ONLY COPY).

The authoritative reference and input builder live on the scoring server;
editing this copy changes nothing except your own understanding.
"""

import jax, jax.numpy as jnp
import numpy as np

B = 32
N_PATCH = 256
DIM = 1024
TOKEN = 768
NUM_K = 32
TOPK = 16
LAYERS = 2
HEADS = 8
EPS = 0.02


def setup_inputs(seed: int = 0) -> dict:
    key = jax.random.key(seed)
    ks = jax.random.split(key, 20)
    s = 0.02
    inp = {}
    inp["img_feature_proj"] = jax.random.normal(ks[0], (B, TOKEN), jnp.float32)
    inp["img_patch_feats"] = jax.random.normal(ks[1], (B, N_PATCH, DIM), jnp.float32)
    inp["templates"] = jax.random.normal(ks[2], (1, NUM_K, DIM), jnp.float32)
    inp["Wq"] = jax.random.normal(ks[3], (LAYERS, DIM, DIM), jnp.float32) * s
    inp["bq"] = jnp.zeros((LAYERS, DIM), jnp.float32)
    inp["Wkv"] = jax.random.normal(ks[4], (LAYERS, DIM, 2 * DIM), jnp.float32) * s
    inp["bkv"] = jnp.zeros((LAYERS, 2 * DIM), jnp.float32)
    inp["Wo"] = jax.random.normal(ks[5], (LAYERS, DIM, DIM), jnp.float32) * s
    inp["bo"] = jnp.zeros((LAYERS, DIM), jnp.float32)
    inp["ln1_g"] = jnp.ones((LAYERS, DIM), jnp.float32)
    inp["ln1_b"] = jnp.zeros((LAYERS, DIM), jnp.float32)
    inp["ln2_g"] = jnp.ones((LAYERS, DIM), jnp.float32)
    inp["ln2_b"] = jnp.zeros((LAYERS, DIM), jnp.float32)
    inp["W1"] = jax.random.normal(ks[6], (LAYERS, DIM, 2 * DIM), jnp.float32) * s
    inp["b1"] = jnp.zeros((LAYERS, 2 * DIM), jnp.float32)
    inp["W2"] = jax.random.normal(ks[7], (LAYERS, 2 * DIM, DIM), jnp.float32) * s
    inp["b2"] = jnp.zeros((LAYERS, DIM), jnp.float32)
    inp["Wfc"] = jax.random.normal(ks[8], (DIM, TOKEN), jnp.float32) * s
    inp["bfc"] = jnp.zeros((TOKEN,), jnp.float32)
    return inp


def _layer_norm(x, g, b):
    m = x.mean(-1, keepdims=True)
    v = ((x - m) ** 2).mean(-1, keepdims=True)
    return (x - m) / jnp.sqrt(v + 1e-5) * g + b


def _attn(x, Wq, bq, Wkv, bkv, Wo, bo):
    b, n, c = x.shape
    hd = c // HEADS
    q = (x @ Wq + bq).reshape(b, n, HEADS, hd)
    kv = (x @ Wkv + bkv).reshape(b, n, 2, HEADS, hd)
    k = kv[:, :, 0]
    v = kv[:, :, 1]
    scale = hd ** -0.5
    att = jnp.einsum('bnhd,bmhd->bnmh', q, k) * scale
    att = jax.nn.softmax(att, axis=2)
    out = jnp.einsum('bnmh,bmhd->bnhd', att, v).reshape(b, n, c)
    return out @ Wo + bo


def _transformer(x, Wq, bq, Wkv, bkv, Wo, bo, ln1_g, ln1_b, ln2_g, ln2_b, W1, b1, W2, b2):
    for l in range(LAYERS):
        x = x + _attn(_layer_norm(x, ln1_g[l], ln1_b[l]), Wq[l], bq[l], Wkv[l], bkv[l], Wo[l], bo[l])
        h = _layer_norm(x, ln2_g[l], ln2_b[l])
        h = jax.nn.relu(h @ W1[l] + b1[l]) @ W2[l] + b2[l]
        x = x + h
    return x


def reference(img_feature_proj, img_patch_feats, templates, Wq, bq, Wkv, bkv, Wo, bo, ln1_g, ln1_b, ln2_g, ln2_b, W1, b1, W2, b2, Wfc, bfc):
    bsz = img_patch_feats.shape[0]
    init_t = jnp.broadcast_to(templates, (bsz, NUM_K, DIM))
    cat = jnp.concatenate([init_t, img_patch_feats], axis=1)
    x = _transformer(cat, Wq, bq, Wkv, bkv, Wo, bo, ln1_g, ln1_b, ln2_g, ln2_b, W1, b1, W2, b2)
    latent = x[:, :NUM_K, :]
    latent = jax.nn.sigmoid(latent @ Wfc + bfc)
    aw = jnp.squeeze(latent @ img_feature_proj[:, :, None], -1)
    aw = jax.nn.softmax(aw, axis=1)
    sorted_idx = jnp.argsort(-aw, axis=1)[:, :TOPK]
    count = jnp.sum(aw > EPS, axis=1)
    num_r = jnp.clip(jnp.minimum(count, TOPK), 1, TOPK)
    j = jnp.arange(TOPK)[None, :]
    keys = jnp.where(j < num_r[:, None], sorted_idx, NUM_K + j)
    order = jnp.argsort(keys, axis=1)
    select_id = jnp.take_along_axis(sorted_idx, order, axis=1)
    sel = jnp.take_along_axis(latent, select_id[:, :, None], axis=1)
    norm = jnp.sqrt(jnp.sum(sel * sel, axis=-1, keepdims=True))
    sel = sel / jnp.maximum(norm, 1e-12)
    return sel, num_r

if __name__ == "__main__":
    import jax
    _d = setup_inputs()
    print(jax.jit(kernel)(*tuple(_d.values())))

</pallas_src>

<mosaic_0001>
module attributes {stable_mosaic.version = 14 : i64} {
  func.func @_select_kernel(%arg0: i32, %arg1: memref<32x32x768xf32, #tpu.memory_space<vmem>>, %arg2: memref<32x768xf32, #tpu.memory_space<vmem>>, %arg3: memref<32x16x768xf32, #tpu.memory_space<vmem>>, %arg4: memref<32x128xf32, #tpu.memory_space<vmem>>) attributes {dimension_semantics = [#tpu.dimension_semantics<arbitrary>], iteration_bounds = array<i64: 1>, scalar_prefetch = 0 : i64, scratch_operands = 0 : i64, tpu.core_type = #tpu.core_type<tc>, window_params = [{pipeline_mode = #tpu.pipeline_mode<synchronous>, transform_indices = @transform_0, window_bounds = array<i64: 32, 32, 768>}, {pipeline_mode = #tpu.pipeline_mode<synchronous>, transform_indices = @transform_1, window_bounds = array<i64: 32, 768>}, {pipeline_mode = #tpu.pipeline_mode<synchronous>, transform_indices = @transform_2, window_bounds = array<i64: 32, 16, 768>}, {pipeline_mode = #tpu.pipeline_mode<synchronous>, transform_indices = @transform_3, window_bounds = array<i64: 32, 128>}]} {
    %iota3A = tpu.iota {dimensions = array<i32: 0>} : vector<768x768xi32>
    %iota3A_0 = tpu.iota {dimensions = array<i32: 1>} : vector<768x768xi32>
    %eq3A = arith.cmpi eq, %iota3A, %iota3A_0 : vector<768x768xi32>
    %convert_element_type3A = arith.extui %eq3A : vector<768x768xi1> to vector<768x768xi32>
    %convert_element_type3A_1 = arith.sitofp %convert_element_type3A : vector<768x768xi32> to vector<768x768xf32>
    %get3A = arith.constant 0 : index
    %get3A_2 = arith.constant 0 : index
    %get3A_3 = vector.load %arg2[%get3A, %get3A_2] : memref<32x768xf32, #tpu.memory_space<vmem>>, vector<32x768xf32>
    %dot_general3A = arith.constant dense<0.000000e+00> : vector<768x32xf32>
    %dot_general3A_4 = tpu.matmul %convert_element_type3A_1, %get3A_3, %dot_general3A {dimension_numbers = #tpu.dot_dimension_numbers<[1], [1], [0], [0], [0, 0, 1, 0], [], []>, precision = #tpu.contract_precision<fp32>, transpose_lhs_hint = false} : vector<768x768xf32>, vector<32x768xf32>, vector<768x32xf32> -> vector<768x32xf32>
    %get3A_5 = arith.constant 0 : index
    %get3A_6 = arith.constant 0 : index
    %get3A_7 = arith.constant 0 : index
    %get3A_8 = vector.load %arg1[%get3A_5, %get3A_6, %get3A_7] : memref<32x32x768xf32, #tpu.memory_space<vmem>>, vector<32x32x768xf32>
    %reshape3A = vector.shape_cast %get3A_8 : vector<32x32x768xf32> to vector<1024x768xf32>
    %dot_general3A_9 = arith.constant dense<0.000000e+00> : vector<1024x32xf32>
    %dot_general3A_10 = tpu.matmul %reshape3A, %dot_general3A_4, %dot_general3A_9 {dimension_numbers = #tpu.dot_dimension_numbers<[1], [0], [0], [1], [0, 0, 1, 1], [], []>, transpose_lhs_hint = false} : vector<1024x768xf32>, vector<768x32xf32>, vector<1024x32xf32> -> vector<1024x32xf32>
    %reshape3A_11 = vector.shape_cast %dot_general3A_10 : vector<1024x32xf32> to vector<32x32x32xf32>
    %iota3A_12 = tpu.iota {dimensions = array<i32: 0>} : vector<32x32x32xi32>
    %iota3A_13 = tpu.iota {dimensions = array<i32: 2>} : vector<32x32x32xi32>
    %eq3A_14 = arith.cmpi eq, %iota3A_12, %iota3A_13 : vector<32x32x32xi32>
    %jit3A = arith.constant 0.000000e+00 : f32
    %broadcast_in_dim3A = vector.broadcast %jit3A : f32 to vector<32x32x32xf32>
    %select_n3A = arith.select %eq3A_14, %reshape3A_11, %broadcast_in_dim3A : vector<32x32x32xi1>, vector<32x32x32xf32>
    %reduce_sum3A = arith.constant dense<0.000000e+00> : vector<32x32xf32>
    %reduce_sum3A_15 = vector.multi_reduction <add>, %select_n3A, %reduce_sum3A [2] : vector<32x32x32xf32> to vector<32x32xf32>
    %iota3A_16 = tpu.iota {dimensions = array<i32: 0>} : vector<32x32xi32>
    %iota3A_17 = tpu.iota {dimensions = array<i32: 1>} : vector<32x32xi32>
    %eq3A_18 = arith.cmpi eq, %iota3A_16, %iota3A_17 : vector<32x32xi32>
    %convert_element_type3A_19 = arith.extui %eq3A_18 : vector<32x32xi1> to vector<32x32xi32>
    %convert_element_type3A_20 = arith.sitofp %convert_element_type3A_19 : vector<32x32xi32> to vector<32x32xf32>
    %dot_general3A_21 = arith.constant dense<0.000000e+00> : vector<32x32xf32>
    %dot_general3A_22 = tpu.matmul %reduce_sum3A_15, %convert_element_type3A_20, %dot_general3A_21 {dimension_numbers = #tpu.dot_dimension_numbers<[0], [0], [1], [1], [0, 1, 1, 1], [], []>, precision = #tpu.contract_precision<fp32>, transpose_lhs_hint = false} : vector<32x32xf32>, vector<32x32xf32>, vector<32x32xf32> -> vector<32x32xf32>
    %reduce_max3A = arith.constant dense<0xFF800000> : vector<32xf32>
    %reduce_max3A_23 = vector.multi_reduction <maximumf>, %dot_general3A_22, %reduce_max3A [0] : vector<32x32xf32> to vector<32xf32>
    %broadcast_in_dim3A_24 = vector.shape_cast %reduce_max3A_23 : vector<32xf32> to vector<1x32xf32>
    %sub3A = vector.broadcast %broadcast_in_dim3A_24 : vector<1x32xf32> to vector<32x32xf32>
    %sub3A_25 = arith.subf %dot_general3A_22, %sub3A : vector<32x32xf32>
    %exp3A = math.exp %sub3A_25 : vector<32x32xf32>
    %reduce_sum3A_26 = arith.constant dense<0.000000e+00> : vector<32xf32>
    %reduce_sum3A_27 = vector.multi_reduction <add>, %exp3A, %reduce_sum3A_26 [0] : vector<32x32xf32> to vector<32xf32>
    %broadcast_in_dim3A_28 = vector.shape_cast %reduce_sum3A_27 : vector<32xf32> to vector<1x32xf32>
    %div3A = vector.broadcast %broadcast_in_dim3A_28 : vector<1x32xf32> to vector<32x32xf32>
    %div3A_29 = arith.divf %exp3A, %div3A : vector<32x32xf32>
    %iota3A_30 = tpu.iota {dimensions = array<i32: 0>} : vector<32x32xi32>
    %iota3A_31 = tpu.iota {dimensions = array<i32: 1>} : vector<32x32xi32>
    %eq3A_32 = arith.cmpi eq, %iota3A_30, %iota3A_31 : vector<32x32xi32>
    %convert_element_type3A_33 = arith.extui %eq3A_32 : vector<32x32xi1> to vector<32x32xi32>
    %convert_element_type3A_34 = arith.sitofp %convert_element_type3A_33 : vector<32x32xi32> to vector<32x32xf32>
    %dot_general3A_35 = arith.constant dense<0.000000e+00> : vector<32x32xf32>
    %dot_general3A_36 = tpu.matmul %div3A_29, %convert_element_type3A_34, %dot_general3A_35 {dimension_numbers = #tpu.dot_dimension_numbers<[0], [0], [1], [1], [0, 1, 1, 1], [], []>, precision = #tpu.contract_precision<fp32>, transpose_lhs_hint = false} : vector<32x32xf32>, vector<32x32xf32>, vector<32x32xf32> -> vector<32x32xf32>
    %broadcast_in_dim3A_37 = vector.shape_cast %dot_general3A_36 : vector<32x32xf32> to vector<32x32x1xf32>
    %broadcast_in_dim3A_38 = vector.shape_cast %dot_general3A_36 : vector<32x32xf32> to vector<32x1x32xf32>
    %iota3A_39 = tpu.iota {dimensions = array<i32: 1>} : vector<32x32x32xi32>
    %iota3A_40 = tpu.iota {dimensions = array<i32: 2>} : vector<32x32x32xi32>
    %gt3A = vector.broadcast %broadcast_in_dim3A_38 : vector<32x1x32xf32> to vector<32x32x32xf32>
    %gt3A_41 = vector.broadcast %broadcast_in_dim3A_37 : vector<32x32x1xf32> to vector<32x32x32xf32>
    %gt3A_42 = arith.cmpf ogt, %gt3A, %gt3A_41 : vector<32x32x32xf32>
    %eq3A_43 = vector.broadcast %broadcast_in_dim3A_38 : vector<32x1x32xf32> to vector<32x32x32xf32>
    %eq3A_44 = vector.broadcast %broadcast_in_dim3A_37 : vector<32x32x1xf32> to vector<32x32x32xf32>
    %eq3A_45 = arith.cmpf oeq, %eq3A_43, %eq3A_44 : vector<32x32x32xf32>
    %lt3A = arith.cmpi slt, %iota3A_40, %iota3A_39 : vector<32x32x32xi32>
    %and3A = arith.andi %eq3A_45, %lt3A : vector<32x32x32xi1>
    %or3A = arith.ori %gt3A_42, %and3A : vector<32x32x32xi1>
    %convert_element_type3A_46 = arith.extui %or3A : vector<32x32x32xi1> to vector<32x32x32xi32>
    %convert_element_type3A_47 = arith.sitofp %convert_element_type3A_46 : vector<32x32x32xi32> to vector<32x32x32xf32>
    %reduce_sum3A_48 = arith.constant dense<0.000000e+00> : vector<32x32xf32>
    %reduce_sum3A_49 = vector.multi_reduction <add>, %convert_element_type3A_47, %reduce_sum3A_48 [2] : vector<32x32x32xf32> to vector<32x32xf32>
    %gt3A_50 = arith.constant 2.000000e-02 : f32
    %gt3A_51 = vector.broadcast %gt3A_50 : f32 to vector<32x32xf32>
    %gt3A_52 = arith.cmpf ogt, %div3A_29, %gt3A_51 : vector<32x32xf32>
    %convert_element_type3A_53 = arith.extui %gt3A_52 : vector<32x32xi1> to vector<32x32xi32>
    %convert_element_type3A_54 = arith.sitofp %convert_element_type3A_53 : vector<32x32xi32> to vector<32x32xf32>
    %reduce_sum3A_55 = arith.constant dense<0.000000e+00> : vector<32xf32>
    %reduce_sum3A_56 = vector.multi_reduction <add>, %convert_element_type3A_54, %reduce_sum3A_55 [0] : vector<32x32xf32> to vector<32xf32>
    %broadcast_in_dim3A_57 = vector.shape_cast %reduce_sum3A_56 : vector<32xf32> to vector<1x32xf32>
    %min3A = arith.constant 1.600000e+01 : f32
    %min3A_58 = vector.broadcast %min3A : f32 to vector<1x32xf32>
    %min3A_59 = arith.minimumf %broadcast_in_dim3A_57, %min3A_58 : vector<1x32xf32>
    %jit3A_60 = arith.constant 1.000000e+00 : f32
    %jit3A_61 = arith.constant 1.600000e+01 : f32
    %max3A = vector.broadcast %jit3A_60 : f32 to vector<1x32xf32>
    %max3A_62 = arith.maximumf %max3A, %min3A_59 : vector<1x32xf32>
    %min3A_63 = vector.broadcast %jit3A_61 : f32 to vector<1x32xf32>
    %min3A_64 = arith.minimumf %min3A_63, %max3A_62 : vector<1x32xf32>
    %dot_general3A_65 = arith.constant dense<0.000000e+00> : vector<32x1xf32>
    %dot_general3A_66 = tpu.matmul %convert_element_type3A_34, %min3A_64, %dot_general3A_65 {dimension_numbers = #tpu.dot_dimension_numbers<[1], [1], [0], [0], [0, 0, 1, 0], [], []>, precision = #tpu.contract_precision<fp32>, transpose_lhs_hint = false} : vector<32x32xf32>, vector<1x32xf32>, vector<32x1xf32> -> vector<32x1xf32>
    %iota3A_67 = tpu.iota {dimensions = array<i32: 1>} : vector<32x16x32xi32>
    %convert_element_type3A_68 = arith.sitofp %iota3A_67 : vector<32x16x32xi32> to vector<32x16x32xf32>
    %iota3A_69 = tpu.iota {dimensions = array<i32: 2>} : vector<32x16x32xi32>
    %convert_element_type3A_70 = arith.sitofp %iota3A_69 : vector<32x16x32xi32> to vector<32x16x32xf32>
    %broadcast_in_dim3A_71 = vector.shape_cast %reduce_sum3A_49 : vector<32x32xf32> to vector<32x1x32xf32>
    %eq3A_72 = vector.broadcast %broadcast_in_dim3A_71 : vector<32x1x32xf32> to vector<32x16x32xf32>
    %eq3A_73 = arith.cmpf oeq, %eq3A_72, %convert_element_type3A_68 : vector<32x16x32xf32>
    %convert_element_type3A_74 = arith.extui %eq3A_73 : vector<32x16x32xi1> to vector<32x16x32xi32>
    %convert_element_type3A_75 = arith.sitofp %convert_element_type3A_74 : vector<32x16x32xi32> to vector<32x16x32xf32>
    %mul3A = arith.mulf %convert_element_type3A_75, %convert_element_type3A_70 : vector<32x16x32xf32>
    %reduce_sum3A_76 = arith.constant dense<0.000000e+00> : vector<32x16xf32>
    %reduce_sum3A_77 = vector.multi_reduction <add>, %mul3A, %reduce_sum3A_76 [2] : vector<32x16x32xf32> to vector<32x16xf32>
    %iota3A_78 = tpu.iota {dimensions = array<i32: 1>} : vector<32x16xi32>
    %convert_element_type3A_79 = arith.sitofp %iota3A_78 : vector<32x16xi32> to vector<32x16xf32>
    %lt3A_80 = vector.broadcast %dot_general3A_66 : vector<32x1xf32> to vector<32x16xf32>
    %lt3A_81 = arith.cmpf olt, %convert_element_type3A_79, %lt3A_80 : vector<32x16xf32>
    %add3A = arith.constant 3.200000e+01 : f32
    %add3A_82 = vector.broadcast %add3A : f32 to vector<32x16xf32>
    %add3A_83 = arith.addf %add3A_82, %convert_element_type3A_79 : vector<32x16xf32>
    %select_n3A_84 = arith.select %lt3A_81, %reduce_sum3A_77, %add3A_83 : vector<32x16xi1>, vector<32x16xf32>
    %broadcast_in_dim3A_85 = vector.shape_cast %select_n3A_84 : vector<32x16xf32> to vector<32x16x1xf32>
    %broadcast_in_dim3A_86 = vector.shape_cast %select_n3A_84 : vector<32x16xf32> to vector<32x1x16xf32>
    %lt3A_87 = vector.broadcast %broadcast_in_dim3A_86 : vector<32x1x16xf32> to vector<32x16x16xf32>
    %lt3A_88 = vector.broadcast %broadcast_in_dim3A_85 : vector<32x16x1xf32> to vector<32x16x16xf32>
    %lt3A_89 = arith.cmpf olt, %lt3A_87, %lt3A_88 : vector<32x16x16xf32>
    %convert_element_type3A_90 = arith.extui %lt3A_89 : vector<32x16x16xi1> to vector<32x16x16xi32>
    %convert_element_type3A_91 = arith.sitofp %convert_element_type3A_90 : vector<32x16x16xi32> to vector<32x16x16xf32>
    %reduce_sum3A_92 = arith.constant dense<0.000000e+00> : vector<32x16xf32>
    %reduce_sum3A_93 = vector.multi_reduction <add>, %convert_element_type3A_91, %reduce_sum3A_92 [2] : vector<32x16x16xf32> to vector<32x16xf32>
    %iota3A_94 = tpu.iota {dimensions = array<i32: 1>} : vector<32x16x16xi32>
    %convert_element_type3A_95 = arith.sitofp %iota3A_94 : vector<32x16x16xi32> to vector<32x16x16xf32>
    %broadcast_in_dim3A_96 = vector.shape_cast %reduce_sum3A_93 : vector<32x16xf32> to vector<32x1x16xf32>
    %eq3A_97 = vector.broadcast %broadcast_in_dim3A_96 : vector<32x1x16xf32> to vector<32x16x16xf32>
    %eq3A_98 = arith.cmpf oeq, %eq3A_97, %convert_element_type3A_95 : vector<32x16x16xf32>
    %convert_element_type3A_99 = arith.extui %eq3A_98 : vector<32x16x16xi1> to vector<32x16x16xi32>
    %convert_element_type3A_100 = arith.sitofp %convert_element_type3A_99 : vector<32x16x16xi32> to vector<32x16x16xf32>
    %broadcast_in_dim3A_101 = vector.shape_cast %reduce_sum3A_77 : vector<32x16xf32> to vector<32x1x16xf32>
    %mul3A_102 = vector.broadcast %broadcast_in_dim3A_101 : vector<32x1x16xf32> to vector<32x16x16xf32>
    %mul3A_103 = arith.mulf %convert_element_type3A_100, %mul3A_102 : vector<32x16x16xf32>
    %reduce_sum3A_104 = arith.constant dense<0.000000e+00> : vector<32x16xf32>
    %reduce_sum3A_105 = vector.multi_reduction <add>, %mul3A_103, %reduce_sum3A_104 [2] : vector<32x16x16xf32> to vector<32x16xf32>
    %iota3A_106 = tpu.iota {dimensions = array<i32: 2>} : vector<32x16x32xi32>
    %convert_element_type3A_107 = arith.sitofp %iota3A_106 : vector<32x16x32xi32> to vector<32x16x32xf32>
    %broadcast_in_dim3A_108 = vector.shape_cast %reduce_sum3A_105 : vector<32x16xf32> to vector<32x16x1xf32>
    %eq3A_109 = vector.broadcast %broadcast_in_dim3A_108 : vector<32x16x1xf32> to vector<32x16x32xf32>
    %eq3A_110 = arith.cmpf oeq, %eq3A_109, %convert_element_type3A_107 : vector<32x16x32xf32>
    %convert_element_type3A_111 = arith.extui %eq3A_110 : vector<32x16x32xi1> to vector<32x16x32xi32>
    %convert_element_type3A_112 = arith.sitofp %convert_element_type3A_111 : vector<32x16x32xi32> to vector<32x16x32xf32>
    %slice3A = vector.extract_strided_slice %convert_element_type3A_112 {offsets = [0, 0, 0], sizes = [1, 16, 32], strides = [1, 1, 1]} : vector<32x16x32xf32> to vector<1x16x32xf32>
    %squeeze3A = vector.shape_cast %slice3A : vector<1x16x32xf32> to vector<16x32xf32>
    %get3A_113 = arith.constant 0 : index
    %get3A_114 = arith.constant 0 : index
    %get3A_115 = arith.constant 0 : index
    %get3A_116 = vector.load %arg1[%get3A_113, %get3A_114, %get3A_115] : memref<32x32x768xf32, #tpu.memory_space<vmem>>, vector<1x32x768xf32>
    %get3A_117 = vector.shape_cast %get3A_116 : vector<1x32x768xf32> to vector<32x768xf32>
    %dot_general3A_118 = arith.constant dense<0.000000e+00> : vector<16x768xf32>
    %dot_general3A_119 = tpu.matmul %squeeze3A, %get3A_117, %dot_general3A_118 {dimension_numbers = #tpu.dot_dimension_numbers<[1], [0], [0], [1], [0, 0, 1, 1], [], []>, precision = #tpu.contract_precision<fp32>, transpose_lhs_hint = false} : vector<16x32xf32>, vector<32x768xf32>, vector<16x768xf32> -> vector<16x768xf32>
    %mul3A_120 = arith.mulf %dot_general3A_119, %dot_general3A_119 : vector<16x768xf32>
    %reduce_sum3A_121 = arith.constant dense<0.000000e+00> : vector<16xf32>
    %reduce_sum3A_122 = vector.multi_reduction <add>, %mul3A_120, %reduce_sum3A_121 [1] : vector<16x768xf32> to vector<16xf32>
    %broadcast_in_dim3A_123 = vector.shape_cast %reduce_sum3A_122 : vector<16xf32> to vector<16x1xf32>
    %sqrt3A = math.sqrt %broadcast_in_dim3A_123 : vector<16x1xf32>
    %max3A_124 = arith.constant 9.99999996E-13 : f32
    %max3A_125 = vector.broadcast %max3A_124 : f32 to vector<16x1xf32>
    %max3A_126 = arith.maximumf %sqrt3A, %max3A_125 : vector<16x1xf32>
    %div3A_127 = vector.broadcast %max3A_126 : vector<16x1xf32> to vector<16x768xf32>
    %div3A_128 = arith.divf %dot_general3A_119, %div3A_127 : vector<16x768xf32>
    %swap3A = arith.constant 0 : index
    %swap3A_129 = arith.constant 0 : index
    %swap3A_130 = arith.constant 0 : index
    %swap3A_131 = vector.load %arg3[%swap3A, %swap3A_129, %swap3A_130] : memref<32x16x768xf32, #tpu.memory_space<vmem>>, vector<1x16x768xf32>
    %swap3A_132 = vector.shape_cast %swap3A_131 : vector<1x16x768xf32> to vector<16x768xf32>
    %swap3A_133 = vector.shape_cast %div3A_128 : vector<16x768xf32> to vector<1x16x768xf32>
    tpu.vector_store %arg3[%swap3A, %swap3A_129, %swap3A_130], %swap3A_133 {strides = array<i32>} : memref<32x16x768xf32, #tpu.memory_space<vmem>>, vector<1x16x768xf32>,
    %slice3A_134 = vector.extract_strided_slice %convert_element_type3A_112 {offsets = [1, 0, 0], sizes = [1, 16, 32], strides = [1, 1, 1]} : vector<32x16x32xf32> to vector<1x16x32xf32>
    %squeeze3A_135 = vector.shape_cast %slice3A_134 : vector<1x16x32xf32> to vector<16x32xf32>
    %get3A_136 = arith.constant 1 : index
    %get3A_137 = arith.constant 0 : index
    %get3A_138 = arith.constant 0 : index
    %get3A_139 = vector.load %arg1[%get3A_136, %get3A_137, %get3A_138] : memref<32x32x768xf32, #tpu.memory_space<vmem>>, vector<1x32x768xf32>
    %get3A_140 = vector.shape_cast %get3A_139 : vector<1x32x768xf32> to vector<32x768xf32>
    %dot_general3A_141 = arith.constant dense<0.000000e+00> : vector<16x768xf32>
    %dot_general3A_142 = tpu.matmul %squeeze3A_135, %get3A_140, %dot_general3A_141 {dimension_numbers = #tpu.dot_dimension_numbers<[1], [0], [0], [1], [0, 0, 1, 1], [], []>, precision = #tpu.contract_precision<fp32>, transpose_lhs_hint = false} : vector<16x32xf32>, vector<32x768xf32>, vector<16x768xf32> -> vector<16x768xf32>
    %mul3A_143 = arith.mulf %dot_general3A_142, %dot_general3A_142 : vector<16x768xf32>
    %reduce_sum3A_144 = arith.constant dense<0.000000e+00> : vector<16xf32>
    %reduce_sum3A_145 = vector.multi_reduction <add>, %mul3A_143, %reduce_sum3A_144 [1] : vector<16x768xf32> to vector<16xf32>
    %broadcast_in_dim3A_146 = vector.shape_cast %reduce_sum3A_145 : vector<16xf32> to vector<16x1xf32>
    %sqrt3A_147 = math.sqrt %broadcast_in_dim3A_146 : vector<16x1xf32>
    %max3A_148 = arith.constant 9.99999996E-13 : f32
    %max3A_149 = vector.broadcast %max3A_148 : f32 to vector<16x1xf32>
    %max3A_150 = arith.maximumf %sqrt3A_147, %max3A_149 : vector<16x1xf32>
    %div3A_151 = vector.broadcast %max3A_150 : vector<16x1xf32> to vector<16x768xf32>
    %div3A_152 = arith.divf %dot_general3A_142, %div3A_151 : vector<16x768xf32>
    %swap3A_153 = arith.constant 1 : index
    %swap3A_154 = arith.constant 0 : index
    %swap3A_155 = arith.constant 0 : index
    %swap3A_156 = vector.load %arg3[%swap3A_153, %swap3A_154, %swap3A_155] : memref<32x16x768xf32, #tpu.memory_space<vmem>>, vector<1x16x768xf32>
    %swap3A_157 = vector.shape_cast %swap3A_156 : vector<1x16x768xf32> to vector<16x768xf32>
    %swap3A_158 = vector.shape_cast %div3A_152 : vector<16x768xf32> to vector<1x16x768xf32>
    tpu.vector_store %arg3[%swap3A_153, %swap3A_154, %swap3A_155], %swap3A_158 {strides = array<i32>} : memref<32x16x768xf32, #tpu.memory_space<vmem>>, vector<1x16x768xf32>,
    %slice3A_159 = vector.extract_strided_slice %convert_element_type3A_112 {offsets = [2, 0, 0], sizes = [1, 16, 32], strides = [1, 1, 1]} : vector<32x16x32xf32> to vector<1x16x32xf32>
    %squeeze3A_160 = vector.shape_cast %slice3A_159 : vector<1x16x32xf32> to vector<16x32xf32>
    %get3A_161 = arith.constant 2 : index
    %get3A_162 = arith.constant 0 : index
    %get3A_163 = arith.constant 0 : index
    %get3A_164 = vector.load %arg1[%get3A_161, %get3A_162, %get3A_163] : memref<32x32x768xf32, #tpu.memory_space<vmem>>, vector<1x32x768xf32>
    %get3A_165 = vector.shape_cast %get3A_164 : vector<1x32x768xf32> to vector<32x768xf32>
    %dot_general3A_166 = arith.constant dense<0.000000e+00> : vector<16x768xf32>
    %dot_general3A_167 = tpu.matmul %squeeze3A_160, %get3A_165, %dot_general3A_166 {dimension_numbers = #tpu.dot_dimension_numbers<[1], [0], [0], [1], [0, 0, 1, 1], [], []>, precision = #tpu.contract_precision<fp32>, transpose_lhs_hint = false} : vector<16x32xf32>, vector<32x768xf32>, vector<16x768xf32> -> vector<16x768xf32>
    %mul3A_168 = arith.mulf %dot_general3A_167, %dot_general3A_167 : vector<16x768xf32>
    %reduce_sum3A_169 = arith.constant dense<0.000000e+00> : vector<16xf32>
    %reduce_sum3A_170 = vector.multi_reduction <add>, %mul3A_168, %reduce_sum3A_169 [1] : vector<16x768xf32> to vector<16xf32>
    %broadcast_in_dim3A_171 = vector.shape_cast %reduce_sum3A_170 : vector<16xf32> to vector<16x1xf32>
    %sqrt3A_172 = math.sqrt %broadcast_in_dim3A_171 : vector<16x1xf32>
    %max3A_173 = arith.constant 9.99999996E-13 : f32
    %max3A_174 = vector.broadcast %max3A_173 : f32 to vector<16x1xf32>
    %max3A_175 = arith.maximumf %sqrt3A_172, %max3A_174 : vector<16x1xf32>
    %div3A_176 = vector.broadcast %max3A_175 : vector<16x1xf32> to vector<16x768xf32>
    %div3A_177 = arith.divf %dot_general3A_167, %div3A_176 : vector<16x768xf32>
    %swap3A_178 = arith.constant 2 : index
    %swap3A_179 = arith.constant 0 : index
    %swap3A_180 = arith.constant 0 : index
    %swap3A_181 = vector.load %arg3[%swap3A_178, %swap3A_179, %swap3A_180] : memref<32x16x768xf32, #tpu.memory_space<vmem>>, vector<1x16x768xf32>
    %swap3A_182 = vector.shape_cast %swap3A_181 : vector<1x16x768xf32> to vector<16x768xf32>
    %swap3A_183 = vector.shape_cast %div3A_177 : vector<16x768xf32> to vector<1x16x768xf32>
    tpu.vector_store %arg3[%swap3A_178, %swap3A_179, %swap3A_180], %swap3A_183 {strides = array<i32>} : memref<32x16x768xf32, #tpu.memory_space<vmem>>, vector<1x16x768xf32>,
    %slice3A_184 = vector.extract_strided_slice %convert_element_type3A_112 {offsets = [3, 0, 0], sizes = [1, 16, 32], strides = [1, 1, 1]} : vector<32x16x32xf32> to vector<1x16x32xf32>
    %squeeze3A_185 = vector.shape_cast %slice3A_184 : vector<1x16x32xf32> to vector<16x32xf32>
    %get3A_186 = arith.constant 3 : index
    %get3A_187 = arith.constant 0 : index
    %get3A_188 = arith.constant 0 : index
    %get3A_189 = vector.load %arg1[%get3A_186, %get3A_187, %get3A_188] : memref<32x32x768xf32, #tpu.memory_space<vmem>>, vector<1x32x768xf32>
    %get3A_190 = vector.shape_cast %get3A_189 : vector<1x32x768xf32> to vector<32x768xf32>
    %dot_general3A_191 = arith.constant dense<0.000000e+00> : vector<16x768xf32>
    %dot_general3A_192 = tpu.matmul %squeeze3A_185, %get3A_190, %dot_general3A_191 {dimension_numbers = #tpu.dot_dimension_numbers<[1], [0], [0], [1], [0, 0, 1, 1], [], []>, precision = #tpu.contract_precision<fp32>, transpose_lhs_hint = false} : vector<16x32xf32>, vector<32x768xf32>, vector<16x768xf32> -> vector<16x768xf32>
    %mul3A_193 = arith.mulf %dot_general3A_192, %dot_general3A_192 : vector<16x768xf32>
    %reduce_sum3A_194 = arith.constant dense<0.000000e+00> : vector<16xf32>
    %reduce_sum3A_195 = vector.multi_reduction <add>, %mul3A_193, %reduce_sum3A_194 [1] : vector<16x768xf32> to vector<16xf32>
    %broadcast_in_dim3A_196 = vector.shape_cast %reduce_sum3A_195 : vector<16xf32> to vector<16x1xf32>
    %sqrt3A_197 = math.sqrt %broadcast_in_dim3A_196 : vector<16x1xf32>
    %max3A_198 = arith.constant 9.99999996E-13 : f32
    %max3A_199 = vector.broadcast %max3A_198 : f32 to vector<16x1xf32>
    %max3A_200 = arith.maximumf %sqrt3A_197, %max3A_199 : vector<16x1xf32>
    %div3A_201 = vector.broadcast %max3A_200 : vector<16x1xf32> to vector<16x768xf32>
    %div3A_202 = arith.divf %dot_general3A_192, %div3A_201 : vector<16x768xf32>
    %swap3A_203 = arith.constant 3 : index
    %swap3A_204 = arith.constant 0 : index
    %swap3A_205 = arith.constant 0 : index
    %swap3A_206 = vector.load %arg3[%swap3A_203, %swap3A_204, %swap3A_205] : memref<32x16x768xf32, #tpu.memory_space<vmem>>, vector<1x16x768xf32>
    %swap3A_207 = vector.shape_cast %swap3A_206 : vector<1x16x768xf32> to vector<16x768xf32>
    %swap3A_208 = vector.shape_cast %div3A_202 : vector<16x768xf32> to vector<1x16x768xf32>
    tpu.vector_store %arg3[%swap3A_203, %swap3A_204, %swap3A_205], %swap3A_208 {strides = array<i32>} : memref<32x16x768xf32, #tpu.memory_space<vmem>>, vector<1x16x768xf32>,
    %slice3A_209 = vector.extract_strided_slice %convert_element_type3A_112 {offsets = [4, 0, 0], sizes = [1, 16, 32], strides = [1, 1, 1]} : vector<32x16x32xf32> to vector<1x16x32xf32>
    %squeeze3A_210 = vector.shape_cast %slice3A_209 : vector<1x16x32xf32> to vector<16x32xf32>
    %get3A_211 = arith.constant 4 : index
    %get3A_212 = arith.constant 0 : index
    %get3A_213 = arith.constant 0 : index
    %get3A_214 = vector.load %arg1[%get3A_211, %get3A_212, %get3A_213] : memref<32x32x768xf32, #tpu.memory_space<vmem>>, vector<1x32x768xf32>
    %get3A_215 = vector.shape_cast %get3A_214 : vector<1x32x768xf32> to vector<32x768xf32>
    %dot_general3A_216 = arith.constant dense<0.000000e+00> : vector<16x768xf32>
    %dot_general3A_217 = tpu.matmul %squeeze3A_210, %get3A_215, %dot_general3A_216 {dimension_numbers = #tpu.dot_dimension_numbers<[1], [0], [0], [1], [0, 0, 1, 1], [], []>, precision = #tpu.contract_precision<fp32>, transpose_lhs_hint = false} : vector<16x32xf32>, vector<32x768xf32>, vector<16x768xf32> -> vector<16x768xf32>
    %mul3A_218 = arith.mulf %dot_general3A_217, %dot_general3A_217 : vector<16x768xf32>
    %reduce_sum3A_219 = arith.constant dense<0.000000e+00> : vector<16xf32>
    %reduce_sum3A_220 = vector.multi_reduction <add>, %mul3A_218, %reduce_sum3A_219 [1] : vector<16x768xf32> to vector<16xf32>
    %broadcast_in_dim3A_221 = vector.shape_cast %reduce_sum3A_220 : vector<16xf32> to vector<16x1xf32>
    %sqrt3A_222 = math.sqrt %broadcast_in_dim3A_221 : vector<16x1xf32>
    %max3A_223 = arith.constant 9.99999996E-13 : f32
    %max3A_224 = vector.broadcast %max3A_223 : f32 to vector<16x1xf32>
    %max3A_225 = arith.maximumf %sqrt3A_222, %max3A_224 : vector<16x1xf32>
    %div3A_226 = vector.broadcast %max3A_225 : vector<16x1xf32> to vector<16x768xf32>
    %div3A_227 = arith.divf %dot_general3A_217, %div3A_226 : vector<16x768xf32>
    %swap3A_228 = arith.constant 4 : index
    %swap3A_229 = arith.constant 0 : index
    %swap3A_230 = arith.constant 0 : index
    %swap3A_231 = vector.load %arg3[%swap3A_228, %swap3A_229, %swap3A_230] : memref<32x16x768xf32, #tpu.memory_space<vmem>>, vector<1x16x768xf32>
    %swap3A_232 = vector.shape_cast %swap3A_231 : vector<1x16x768xf32> to vector<16x768xf32>
    %swap3A_233 = vector.shape_cast %div3A_227 : vector<16x768xf32> to vector<1x16x768xf32>
    tpu.vector_store %arg3[%swap3A_228, %swap3A_229, %swap3A_230], %swap3A_233 {strides = array<i32>} : memref<32x16x768xf32, #tpu.memory_space<vmem>>, vector<1x16x768xf32>,
    %slice3A_234 = vector.extract_strided_slice %convert_element_type3A_112 {offsets = [5, 0, 0], sizes = [1, 16, 32], strides = [1, 1, 1]} : vector<32x16x32xf32> to vector<1x16x32xf32>
    %squeeze3A_235 = vector.shape_cast %slice3A_234 : vector<1x16x32xf32> to vector<16x32xf32>
    %get3A_236 = arith.constant 5 : index
    %get3A_237 = arith.constant 0 : index
    %get3A_238 = arith.constant 0 : index
    %get3A_239 = vector.load %arg1[%get3A_236, %get3A_237, %get3A_238] : memref<32x32x768xf32, #tpu.memory_space<vmem>>, vector<1x32x768xf32>
    %get3A_240 = vector.shape_cast %get3A_239 : vector<1x32x768xf32> to vector<32x768xf32>
    %dot_general3A_241 = arith.constant dense<0.000000e+00> : vector<16x768xf32>
    %dot_general3A_242 = tpu.matmul %squeeze3A_235, %get3A_240, %dot_general3A_241 {dimension_numbers = #tpu.dot_dimension_numbers<[1], [0], [0], [1], [0, 0, 1, 1], [], []>, precision = #tpu.contract_precision<fp32>, transpose_lhs_hint = false} : vector<16x32xf32>, vector<32x768xf32>, vector<16x768xf32> -> vector<16x768xf32>
    %mul3A_243 = arith.mulf %dot_general3A_242, %dot_general3A_242 : vector<16x768xf32>
    %reduce_sum3A_244 = arith.constant dense<0.000000e+00> : vector<16xf32>
    %reduce_sum3A_245 = vector.multi_reduction <add>, %mul3A_243, %reduce_sum3A_244 [1] : vector<16x768xf32> to vector<16xf32>
    %broadcast_in_dim3A_246 = vector.shape_cast %reduce_sum3A_245 : vector<16xf32> to vector<16x1xf32>
    %sqrt3A_247 = math.sqrt %broadcast_in_dim3A_246 : vector<16x1xf32>
    %max3A_248 = arith.constant 9.99999996E-13 : f32
    %max3A_249 = vector.broadcast %max3A_248 : f32 to vector<16x1xf32>
    %max3A_250 = arith.maximumf %sqrt3A_247, %max3A_249 : vector<16x1xf32>
    %div3A_251 = vector.broadcast %max3A_250 : vector<16x1xf32> to vector<16x768xf32>
    %div3A_252 = arith.divf %dot_general3A_242, %div3A_251 : vector<16x768xf32>
    %swap3A_253 = arith.constant 5 : index
    %swap3A_254 = arith.constant 0 : index
    %swap3A_255 = arith.constant 0 : index
    %swap3A_256 = vector.load %arg3[%swap3A_253, %swap3A_254, %swap3A_255] : memref<32x16x768xf32, #tpu.memory_space<vmem>>, vector<1x16x768xf32>
    %swap3A_257 = vector.shape_cast %swap3A_256 : vector<1x16x768xf32> to vector<16x768xf32>
    %swap3A_258 = vector.shape_cast %div3A_252 : vector<16x768xf32> to vector<1x16x768xf32>
    tpu.vector_store %arg3[%swap3A_253, %swap3A_254, %swap3A_255], %swap3A_258 {strides = array<i32>} : memref<32x16x768xf32, #tpu.memory_space<vmem>>, vector<1x16x768xf32>,
    %slice3A_259 = vector.extract_strided_slice %convert_element_type3A_112 {offsets = [6, 0, 0], sizes = [1, 16, 32], strides = [1, 1, 1]} : vector<32x16x32xf32> to vector<1x16x32xf32>
    %squeeze3A_260 = vector.shape_cast %slice3A_259 : vector<1x16x32xf32> to vector<16x32xf32>
    %get3A_261 = arith.constant 6 : index
    %get3A_262 = arith.constant 0 : index
    %get3A_263 = arith.constant 0 : index
    %get3A_264 = vector.load %arg1[%get3A_261, %get3A_262, %get3A_263] : memref<32x32x768xf32, #tpu.memory_space<vmem>>, vector<1x32x768xf32>
    %get3A_265 = vector.shape_cast %get3A_264 : vector<1x32x768xf32> to vector<32x768xf32>
    %dot_general3A_266 = arith.constant dense<0.000000e+00> : vector<16x768xf32>
    %dot_general3A_267 = tpu.matmul %squeeze3A_260, %get3A_265, %dot_general3A_266 {dimension_numbers = #tpu.dot_dimension_numbers<[1], [0], [0], [1], [0, 0, 1, 1], [], []>, precision = #tpu.contract_precision<fp32>, transpose_lhs_hint = false} : vector<16x32xf32>, vector<32x768xf32>, vector<16x768xf32> -> vector<16x768xf32>
    %mul3A_268 = arith.mulf %dot_general3A_267, %dot_general3A_267 : vector<16x768xf32>
    %reduce_sum3A_269 = arith.constant dense<0.000000e+00> : vector<16xf32>
    %reduce_sum3A_270 = vector.multi_reduction <add>, %mul3A_268, %reduce_sum3A_269 [1] : vector<16x768xf32> to vector<16xf32>
    %broadcast_in_dim3A_271 = vector.shape_cast %reduce_sum3A_270 : vector<16xf32> to vector<16x1xf32>
    %sqrt3A_272 = math.sqrt %broadcast_in_dim3A_271 : vector<16x1xf32>
    %max3A_273 = arith.constant 9.99999996E-13 : f32
    %max3A_274 = vector.broadcast %max3A_273 : f32 to vector<16x1xf32>
    %max3A_275 = arith.maximumf %sqrt3A_272, %max3A_274 : vector<16x1xf32>
    %div3A_276 = vector.broadcast %max3A_275 : vector<16x1xf32> to vector<16x768xf32>
    %div3A_277 = arith.divf %dot_general3A_267, %div3A_276 : vector<16x768xf32>
    %swap3A_278 = arith.constant 6 : index
    %swap3A_279 = arith.constant 0 : index
    %swap3A_280 = arith.constant 0 : index
    %swap3A_281 = vector.load %arg3[%swap3A_278, %swap3A_279, %swap3A_280] : memref<32x16x768xf32, #tpu.memory_space<vmem>>, vector<1x16x768xf32>
    %swap3A_282 = vector.shape_cast %swap3A_281 : vector<1x16x768xf32> to vector<16x768xf32>
    %swap3A_283 = vector.shape_cast %div3A_277 : vector<16x768xf32> to vector<1x16x768xf32>
    tpu.vector_store %arg3[%swap3A_278, %swap3A_279, %swap3A_280], %swap3A_283 {strides = array<i32>} : memref<32x16x768xf32, #tpu.memory_space<vmem>>, vector<1x16x768xf32>,
    %slice3A_284 = vector.extract_strided_slice %convert_element_type3A_112 {offsets = [7, 0, 0], sizes = [1, 16, 32], strides = [1, 1, 1]} : vector<32x16x32xf32> to vector<1x16x32xf32>
    %squeeze3A_285 = vector.shape_cast %slice3A_284 : vector<1x16x32xf32> to vector<16x32xf32>
    %get3A_286 = arith.constant 7 : index
    %get3A_287 = arith.constant 0 : index
    %get3A_288 = arith.constant 0 : index
    %get3A_289 = vector.load %arg1[%get3A_286, %get3A_287, %get3A_288] : memref<32x32x768xf32, #tpu.memory_space<vmem>>, vector<1x32x768xf32>
    %get3A_290 = vector.shape_cast %get3A_289 : vector<1x32x768xf32> to vector<32x768xf32>
    %dot_general3A_291 = arith.constant dense<0.000000e+00> : vector<16x768xf32>
    %dot_general3A_292 = tpu.matmul %squeeze3A_285, %get3A_290, %dot_general3A_291 {dimension_numbers = #tpu.dot_dimension_numbers<[1], [0], [0], [1], [0, 0, 1, 1], [], []>, precision = #tpu.contract_precision<fp32>, transpose_lhs_hint = false} : vector<16x32xf32>, vector<32x768xf32>, vector<16x768xf32> -> vector<16x768xf32>
    %mul3A_293 = arith.mulf %dot_general3A_292, %dot_general3A_292 : vector<16x768xf32>
    %reduce_sum3A_294 = arith.constant dense<0.000000e+00> : vector<16xf32>
    %reduce_sum3A_295 = vector.multi_reduction <add>, %mul3A_293, %reduce_sum3A_294 [1] : vector<16x768xf32> to vector<16xf32>
    %broadcast_in_dim3A_296 = vector.shape_cast %reduce_sum3A_295 : vector<16xf32> to vector<16x1xf32>
    %sqrt3A_297 = math.sqrt %broadcast_in_dim3A_296 : vector<16x1xf32>
    %max3A_298 = arith.constant 9.99999996E-13 : f32
    %max3A_299 = vector.broadcast %max3A_298 : f32 to vector<16x1xf32>
    %max3A_300 = arith.maximumf %sqrt3A_297, %max3A_299 : vector<16x1xf32>
    %div3A_301 = vector.broadcast %max3A_300 : vector<16x1xf32> to vector<16x768xf32>
    %div3A_302 = arith.divf %dot_general3A_292, %div3A_301 : vector<16x768xf32>
    %swap3A_303 = arith.constant 7 : index
    %swap3A_304 = arith.constant 0 : index
    %swap3A_305 = arith.constant 0 : index
    %swap3A_306 = vector.load %arg3[%swap3A_303, %swap3A_304, %swap3A_305] : memref<32x16x768xf32, #tpu.memory_space<vmem>>, vector<1x16x768xf32>
    %swap3A_307 = vector.shape_cast %swap3A_306 : vector<1x16x768xf32> to vector<16x768xf32>
    %swap3A_308 = vector.shape_cast %div3A_302 : vector<16x768xf32> to vector<1x16x768xf32>
    tpu.vector_store %arg3[%swap3A_303, %swap3A_304, %swap3A_305], %swap3A_308 {strides = array<i32>} : memref<32x16x768xf32, #tpu.memory_space<vmem>>, vector<1x16x768xf32>,
    %slice3A_309 = vector.extract_strided_slice %convert_element_type3A_112 {offsets = [8, 0, 0], sizes = [1, 16, 32], strides = [1, 1, 1]} : vector<32x16x32xf32> to vector<1x16x32xf32>
    %squeeze3A_310 = vector.shape_cast %slice3A_309 : vector<1x16x32xf32> to vector<16x32xf32>
    %get3A_311 = arith.constant 8 : index
    %get3A_312 = arith.constant 0 : index
    %get3A_313 = arith.constant 0 : index
    %get3A_314 = vector.load %arg1[%get3A_311, %get3A_312, %get3A_313] : memref<32x32x768xf32, #tpu.memory_space<vmem>>, vector<1x32x768xf32>
    %get3A_315 = vector.shape_cast %get3A_314 : vector<1x32x768xf32> to vector<32x768xf32>
    %dot_general3A_316 = arith.constant dense<0.000000e+00> : vector<16x768xf32>
    %dot_general3A_317 = tpu.matmul %squeeze3A_310, %get3A_315, %dot_general3A_316 {dimension_numbers = #tpu.dot_dimension_numbers<[1], [0], [0], [1], [0, 0, 1, 1], [], []>, precision = #tpu.contract_precision<fp32>, transpose_lhs_hint = false} : vector<16x32xf32>, vector<32x768xf32>, vector<16x768xf32> -> vector<16x768xf32>
    %mul3A_318 = arith.mulf %dot_general3A_317, %dot_general3A_317 : vector<16x768xf32>
    %reduce_sum3A_319 = arith.constant dense<0.000000e+00> : vector<16xf32>
    %reduce_sum3A_320 = vector.multi_reduction <add>, %mul3A_318, %reduce_sum3A_319 [1] : vector<16x768xf32> to vector<16xf32>
    %broadcast_in_dim3A_321 = vector.shape_cast %reduce_sum3A_320 : vector<16xf32> to vector<16x1xf32>
    %sqrt3A_322 = math.sqrt %broadcast_in_dim3A_321 : vector<16x1xf32>
    %max3A_323 = arith.constant 9.99999996E-13 : f32
    %max3A_324 = vector.broadcast %max3A_323 : f32 to vector<16x1xf32>
    %max3A_325 = arith.maximumf %sqrt3A_322, %max3A_324 : vector<16x1xf32>
    %div3A_326 = vector.broadcast %max3A_325 : vector<16x1xf32> to vector<16x768xf32>
    %div3A_327 = arith.divf %dot_general3A_317, %div3A_326 : vector<16x768xf32>
    %swap3A_328 = arith.constant 8 : index
    %swap3A_329 = arith.constant 0 : index
    %swap3A_330 = arith.constant 0 : index
    %swap3A_331 = vector.load %arg3[%swap3A_328, %swap3A_329, %swap3A_330] : memref<32x16x768xf32, #tpu.memory_space<vmem>>, vector<1x16x768xf32>
    %swap3A_332 = vector.shape_cast %swap3A_331 : vector<1x16x768xf32> to vector<16x768xf32>
    %swap3A_333 = vector.shape_cast %div3A_327 : vector<16x768xf32> to vector<1x16x768xf32>
    tpu.vector_store %arg3[%swap3A_328, %swap3A_329, %swap3A_330], %swap3A_333 {strides = array<i32>} : memref<32x16x768xf32, #tpu.memory_space<vmem>>, vector<1x16x768xf32>,
    %slice3A_334 = vector.extract_strided_slice %convert_element_type3A_112 {offsets = [9, 0, 0], sizes = [1, 16, 32], strides = [1, 1, 1]} : vector<32x16x32xf32> to vector<1x16x32xf32>
    %squeeze3A_335 = vector.shape_cast %slice3A_334 : vector<1x16x32xf32> to vector<16x32xf32>
    %get3A_336 = arith.constant 9 : index
    %get3A_337 = arith.constant 0 : index
    %get3A_338 = arith.constant 0 : index
    %get3A_339 = vector.load %arg1[%get3A_336, %get3A_337, %get3A_338] : memref<32x32x768xf32, #tpu.memory_space<vmem>>, vector<1x32x768xf32>
    %get3A_340 = vector.shape_cast %get3A_339 : vector<1x32x768xf32> to vector<32x768xf32>
    %dot_general3A_341 = arith.constant dense<0.000000e+00> : vector<16x768xf32>
    %dot_general3A_342 = tpu.matmul %squeeze3A_335, %get3A_340, %dot_general3A_341 {dimension_numbers = #tpu.dot_dimension_numbers<[1], [0], [0], [1], [0, 0, 1, 1], [], []>, precision = #tpu.contract_precision<fp32>, transpose_lhs_hint = false} : vector<16x32xf32>, vector<32x768xf32>, vector<16x768xf32> -> vector<16x768xf32>
    %mul3A_343 = arith.mulf %dot_general3A_342, %dot_general3A_342 : vector<16x768xf32>
    %reduce_sum3A_344 = arith.constant dense<0.000000e+00> : vector<16xf32>
    %reduce_sum3A_345 = vector.multi_reduction <add>, %mul3A_343, %reduce_sum3A_344 [1] : vector<16x768xf32> to vector<16xf32>
    %broadcast_in_dim3A_346 = vector.shape_cast %reduce_sum3A_345 : vector<16xf32> to vector<16x1xf32>
    %sqrt3A_347 = math.sqrt %broadcast_in_dim3A_346 : vector<16x1xf32>
    %max3A_348 = arith.constant 9.99999996E-13 : f32
    %max3A_349 = vector.broadcast %max3A_348 : f32 to vector<16x1xf32>
    %max3A_350 = arith.maximumf %sqrt3A_347, %max3A_349 : vector<16x1xf32>
    %div3A_351 = vector.broadcast %max3A_350 : vector<16x1xf32> to vector<16x768xf32>
    %div3A_352 = arith.divf %dot_general3A_342, %div3A_351 : vector<16x768xf32>
    %swap3A_353 = arith.constant 9 : index
    %swap3A_354 = arith.constant 0 : index
    %swap3A_355 = arith.constant 0 : index
    %swap3A_356 = vector.load %arg3[%swap3A_353, %swap3A_354, %swap3A_355] : memref<32x16x768xf32, #tpu.memory_space<vmem>>, vector<1x16x768xf32>
    %swap3A_357 = vector.shape_cast %swap3A_356 : vector<1x16x768xf32> to vector<16x768xf32>
    %swap3A_358 = vector.shape_cast %div3A_352 : vector<16x768xf32> to vector<1x16x768xf32>
    tpu.vector_store %arg3[%swap3A_353, %swap3A_354, %swap3A_355], %swap3A_358 {strides = array<i32>} : memref<32x16x768xf32, #tpu.memory_space<vmem>>, vector<1x16x768xf32>,
    %slice3A_359 = vector.extract_strided_slice %convert_element_type3A_112 {offsets = [10, 0, 0], sizes = [1, 16, 32], strides = [1, 1, 1]} : vector<32x16x32xf32> to vector<1x16x32xf32>
    %squeeze3A_360 = vector.shape_cast %slice3A_359 : vector<1x16x32xf32> to vector<16x32xf32>
    %get3A_361 = arith.constant 10 : index
    %get3A_362 = arith.constant 0 : index
    %get3A_363 = arith.constant 0 : index
    %get3A_364 = vector.load %arg1[%get3A_361, %get3A_362, %get3A_363] : memref<32x32x768xf32, #tpu.memory_space<vmem>>, vector<1x32x768xf32>
    %get3A_365 = vector.shape_cast %get3A_364 : vector<1x32x768xf32> to vector<32x768xf32>
    %dot_general3A_366 = arith.constant dense<0.000000e+00> : vector<16x768xf32>
    %dot_general3A_367 = tpu.matmul %squeeze3A_360, %get3A_365, %dot_general3A_366 {dimension_numbers = #tpu.dot_dimension_numbers<[1], [0], [0], [1], [0, 0, 1, 1], [], []>, precision = #tpu.contract_precision<fp32>, transpose_lhs_hint = false} : vector<16x32xf32>, vector<32x768xf32>, vector<16x768xf32> -> vector<16x768xf32>
    %mul3A_368 = arith.mulf %dot_general3A_367, %dot_general3A_367 : vector<16x768xf32>
    %reduce_sum3A_369 = arith.constant dense<0.000000e+00> : vector<16xf32>
    %reduce_sum3A_370 = vector.multi_reduction <add>, %mul3A_368, %reduce_sum3A_369 [1] : vector<16x768xf32> to vector<16xf32>
    %broadcast_in_dim3A_371 = vector.shape_cast %reduce_sum3A_370 : vector<16xf32> to vector<16x1xf32>
    %sqrt3A_372 = math.sqrt %broadcast_in_dim3A_371 : vector<16x1xf32>
    %max3A_373 = arith.constant 9.99999996E-13 : f32
    %max3A_374 = vector.broadcast %max3A_373 : f32 to vector<16x1xf32>
    %max3A_375 = arith.maximumf %sqrt3A_372, %max3A_374 : vector<16x1xf32>
    %div3A_376 = vector.broadcast %max3A_375 : vector<16x1xf32> to vector<16x768xf32>
    %div3A_377 = arith.divf %dot_general3A_367, %div3A_376 : vector<16x768xf32>
    %swap3A_378 = arith.constant 10 : index
    %swap3A_379 = arith.constant 0 : index
    %swap3A_380 = arith.constant 0 : index
    %swap3A_381 = vector.load %arg3[%swap3A_378, %swap3A_379, %swap3A_380] : memref<32x16x768xf32, #tpu.memory_space<vmem>>, vector<1x16x768xf32>
    %swap3A_382 = vector.shape_cast %swap3A_381 : vector<1x16x768xf32> to vector<16x768xf32>
    %swap3A_383 = vector.shape_cast %div3A_377 : vector<16x768xf32> to vector<1x16x768xf32>
    tpu.vector_store %arg3[%swap3A_378, %swap3A_379, %swap3A_380], %swap3A_383 {strides = array<i32>} : memref<32x16x768xf32, #tpu.memory_space<vmem>>, vector<1x16x768xf32>,
    %slice3A_384 = vector.extract_strided_slice %convert_element_type3A_112 {offsets = [11, 0, 0], sizes = [1, 16, 32], strides = [1, 1, 1]} : vector<32x16x32xf32> to vector<1x16x32xf32>
    %squeeze3A_385 = vector.shape_cast %slice3A_384 : vector<1x16x32xf32> to vector<16x32xf32>
    %get3A_386 = arith.constant 11 : index
    %get3A_387 = arith.constant 0 : index
    %get3A_388 = arith.constant 0 : index
    %get3A_389 = vector.load %arg1[%get3A_386, %get3A_387, %get3A_388] : memref<32x32x768xf32, #tpu.memory_space<vmem>>, vector<1x32x768xf32>
    %get3A_390 = vector.shape_cast %get3A_389 : vector<1x32x768xf32> to vector<32x768xf32>
    %dot_general3A_391 = arith.constant dense<0.000000e+00> : vector<16x768xf32>
    %dot_general3A_392 = tpu.matmul %squeeze3A_385, %get3A_390, %dot_general3A_391 {dimension_numbers = #tpu.dot_dimension_numbers<[1], [0], [0], [1], [0, 0, 1, 1], [], []>, precision = #tpu.contract_precision<fp32>, transpose_lhs_hint = false} : vector<16x32xf32>, vector<32x768xf32>, vector<16x768xf32> -> vector<16x768xf32>
    %mul3A_393 = arith.mulf %dot_general3A_392, %dot_general3A_392 : vector<16x768xf32>
    %reduce_sum3A_394 = arith.constant dense<0.000000e+00> : vector<16xf32>
    %reduce_sum3A_395 = vector.multi_reduction <add>, %mul3A_393, %reduce_sum3A_394 [1] : vector<16x768xf32> to vector<16xf32>
    %broadcast_in_dim3A_396 = vector.shape_cast %reduce_sum3A_395 : vector<16xf32> to vector<16x1xf32>
    %sqrt3A_397 = math.sqrt %broadcast_in_dim3A_396 : vector<16x1xf32>
    %max3A_398 = arith.constant 9.99999996E-13 : f32
    %max3A_399 = vector.broadcast %max3A_398 : f32 to vector<16x1xf32>
    %max3A_400 = arith.maximumf %sqrt3A_397, %max3A_399 : vector<16x1xf32>
    %div3A_401 = vector.broadcast %max3A_400 : vector<16x1xf32> to vector<16x768xf32>
    %div3A_402 = arith.divf %dot_general3A_392, %div3A_401 : vector<16x768xf32>
    %swap3A_403 = arith.constant 11 : index
    %swap3A_404 = arith.constant 0 : index
    %swap3A_405 = arith.constant 0 : index
    %swap3A_406 = vector.load %arg3[%swap3A_403, %swap3A_404, %swap3A_405] : memref<32x16x768xf32, #tpu.memory_space<vmem>>, vector<1x16x768xf32>
    %swap3A_407 = vector.shape_cast %swap3A_406 : vector<1x16x768xf32> to vector<16x768xf32>
    %swap3A_408 = vector.shape_cast %div3A_402 : vector<16x768xf32> to vector<1x16x768xf32>
    tpu.vector_store %arg3[%swap3A_403, %swap3A_404, %swap3A_405], %swap3A_408 {strides = array<i32>} : memref<32x16x768xf32, #tpu.memory_space<vmem>>, vector<1x16x768xf32>,
    %slice3A_409 = vector.extract_strided_slice %convert_element_type3A_112 {offsets = [12, 0, 0], sizes = [1, 16, 32], strides = [1, 1, 1]} : vector<32x16x32xf32> to vector<1x16x32xf32>
    %squeeze3A_410 = vector.shape_cast %slice3A_409 : vector<1x16x32xf32> to vector<16x32xf32>
    %get3A_411 = arith.constant 12 : index
    %get3A_412 = arith.constant 0 : index
    %get3A_413 = arith.constant 0 : index
    %get3A_414 = vector.load %arg1[%get3A_411, %get3A_412, %get3A_413] : memref<32x32x768xf32, #tpu.memory_space<vmem>>, vector<1x32x768xf32>
    %get3A_415 = vector.shape_cast %get3A_414 : vector<1x32x768xf32> to vector<32x768xf32>
    %dot_general3A_416 = arith.constant dense<0.000000e+00> : vector<16x768xf32>
    %dot_general3A_417 = tpu.matmul %squeeze3A_410, %get3A_415, %dot_general3A_416 {dimension_numbers = #tpu.dot_dimension_numbers<[1], [0], [0], [1], [0, 0, 1, 1], [], []>, precision = #tpu.contract_precision<fp32>, transpose_lhs_hint = false} : vector<16x32xf32>, vector<32x768xf32>, vector<16x768xf32> -> vector<16x768xf32>
    %mul3A_418 = arith.mulf %dot_general3A_417, %dot_general3A_417 : vector<16x768xf32>
    %reduce_sum3A_419 = arith.constant dense<0.000000e+00> : vector<16xf32>
    %reduce_sum3A_420 = vector.multi_reduction <add>, %mul3A_418, %reduce_sum3A_419 [1] : vector<16x768xf32> to vector<16xf32>
    %broadcast_in_dim3A_421 = vector.shape_cast %reduce_sum3A_420 : vector<16xf32> to vector<16x1xf32>
    %sqrt3A_422 = math.sqrt %broadcast_in_dim3A_421 : vector<16x1xf32>
    %max3A_423 = arith.constant 9.99999996E-13 : f32
    %max3A_424 = vector.broadcast %max3A_423 : f32 to vector<16x1xf32>
    %max3A_425 = arith.maximumf %sqrt3A_422, %max3A_424 : vector<16x1xf32>
    %div3A_426 = vector.broadcast %max3A_425 : vector<16x1xf32> to vector<16x768xf32>
    %div3A_427 = arith.divf %dot_general3A_417, %div3A_426 : vector<16x768xf32>
    %swap3A_428 = arith.constant 12 : index
    %swap3A_429 = arith.constant 0 : index
    %swap3A_430 = arith.constant 0 : index
    %swap3A_431 = vector.load %arg3[%swap3A_428, %swap3A_429, %swap3A_430] : memref<32x16x768xf32, #tpu.memory_space<vmem>>, vector<1x16x768xf32>
    %swap3A_432 = vector.shape_cast %swap3A_431 : vector<1x16x768xf32> to vector<16x768xf32>
    %swap3A_433 = vector.shape_cast %div3A_427 : vector<16x768xf32> to vector<1x16x768xf32>
    tpu.vector_store %arg3[%swap3A_428, %swap3A_429, %swap3A_430], %swap3A_433 {strides = array<i32>} : memref<32x16x768xf32, #tpu.memory_space<vmem>>, vector<1x16x768xf32>,
    %slice3A_434 = vector.extract_strided_slice %convert_element_type3A_112 {offsets = [13, 0, 0], sizes = [1, 16, 32], strides = [1, 1, 1]} : vector<32x16x32xf32> to vector<1x16x32xf32>
    %squeeze3A_435 = vector.shape_cast %slice3A_434 : vector<1x16x32xf32> to vector<16x32xf32>
    %get3A_436 = arith.constant 13 : index
    %get3A_437 = arith.constant 0 : index
    %get3A_438 = arith.constant 0 : index
    %get3A_439 = vector.load %arg1[%get3A_436, %get3A_437, %get3A_438] : memref<32x32x768xf32, #tpu.memory_space<vmem>>, vector<1x32x768xf32>
    %get3A_440 = vector.shape_cast %get3A_439 : vector<1x32x768xf32> to vector<32x768xf32>
    %dot_general3A_441 = arith.constant dense<0.000000e+00> : vector<16x768xf32>
    %dot_general3A_442 = tpu.matmul %squeeze3A_435, %get3A_440, %dot_general3A_441 {dimension_numbers = #tpu.dot_dimension_numbers<[1], [0], [0], [1], [0, 0, 1, 1], [], []>, precision = #tpu.contract_precision<fp32>, transpose_lhs_hint = false} : vector<16x32xf32>, vector<32x768xf32>, vector<16x768xf32> -> vector<16x768xf32>
    %mul3A_443 = arith.mulf %dot_general3A_442, %dot_general3A_442 : vector<16x768xf32>
    %reduce_sum3A_444 = arith.constant dense<0.000000e+00> : vector<16xf32>
    %reduce_sum3A_445 = vector.multi_reduction <add>, %mul3A_443, %reduce_sum3A_444 [1] : vector<16x768xf32> to vector<16xf32>
    %broadcast_in_dim3A_446 = vector.shape_cast %reduce_sum3A_445 : vector<16xf32> to vector<16x1xf32>
    %sqrt3A_447 = math.sqrt %broadcast_in_dim3A_446 : vector<16x1xf32>
    %max3A_448 = arith.constant 9.99999996E-13 : f32
    %max3A_449 = vector.broadcast %max3A_448 : f32 to vector<16x1xf32>
    %max3A_450 = arith.maximumf %sqrt3A_447, %max3A_449 : vector<16x1xf32>
    %div3A_451 = vector.broadcast %max3A_450 : vector<16x1xf32> to vector<16x768xf32>
    %div3A_452 = arith.divf %dot_general3A_442, %div3A_451 : vector<16x768xf32>
    %swap3A_453 = arith.constant 13 : index
    %swap3A_454 = arith.constant 0 : index
    %swap3A_455 = arith.constant 0 : index
    %swap3A_456 = vector.load %arg3[%swap3A_453, %swap3A_454, %swap3A_455] : memref<32x16x768xf32, #tpu.memory_space<vmem>>, vector<1x16x768xf32>
    %swap3A_457 = vector.shape_cast %swap3A_456 : vector<1x16x768xf32> to vector<16x768xf32>
    %swap3A_458 = vector.shape_cast %div3A_452 : vector<16x768xf32> to vector<1x16x768xf32>
    tpu.vector_store %arg3[%swap3A_453, %swap3A_454, %swap3A_455], %swap3A_458 {strides = array<i32>} : memref<32x16x768xf32, #tpu.memory_space<vmem>>, vector<1x16x768xf32>,
    %slice3A_459 = vector.extract_strided_slice %convert_element_type3A_112 {offsets = [14, 0, 0], sizes = [1, 16, 32], strides = [1, 1, 1]} : vector<32x16x32xf32> to vector<1x16x32xf32>
    %squeeze3A_460 = vector.shape_cast %slice3A_459 : vector<1x16x32xf32> to vector<16x32xf32>
    %get3A_461 = arith.constant 14 : index
    %get3A_462 = arith.constant 0 : index
    %get3A_463 = arith.constant 0 : index
    %get3A_464 = vector.load %arg1[%get3A_461, %get3A_462, %get3A_463] : memref<32x32x768xf32, #tpu.memory_space<vmem>>, vector<1x32x768xf32>
    %get3A_465 = vector.shape_cast %get3A_464 : vector<1x32x768xf32> to vector<32x768xf32>
    %dot_general3A_466 = arith.constant dense<0.000000e+00> : vector<16x768xf32>
    %dot_general3A_467 = tpu.matmul %squeeze3A_460, %get3A_465, %dot_general3A_466 {dimension_numbers = #tpu.dot_dimension_numbers<[1], [0], [0], [1], [0, 0, 1, 1], [], []>, precision = #tpu.contract_precision<fp32>, transpose_lhs_hint = false} : vector<16x32xf32>, vector<32x768xf32>, vector<16x768xf32> -> vector<16x768xf32>
    %mul3A_468 = arith.mulf %dot_general3A_467, %dot_general3A_467 : vector<16x768xf32>
    %reduce_sum3A_469 = arith.constant dense<0.000000e+00> : vector<16xf32>
    %reduce_sum3A_470 = vector.multi_reduction <add>, %mul3A_468, %reduce_sum3A_469 [1] : vector<16x768xf32> to vector<16xf32>
    %broadcast_in_dim3A_471 = vector.shape_cast %reduce_sum3A_470 : vector<16xf32> to vector<16x1xf32>
    %sqrt3A_472 = math.sqrt %broadcast_in_dim3A_471 : vector<16x1xf32>
    %max3A_473 = arith.constant 9.99999996E-13 : f32
    %max3A_474 = vector.broadcast %max3A_473 : f32 to vector<16x1xf32>
    %max3A_475 = arith.maximumf %sqrt3A_472, %max3A_474 : vector<16x1xf32>
    %div3A_476 = vector.broadcast %max3A_475 : vector<16x1xf32> to vector<16x768xf32>
    %div3A_477 = arith.divf %dot_general3A_467, %div3A_476 : vector<16x768xf32>
    %swap3A_478 = arith.constant 14 : index
    %swap3A_479 = arith.constant 0 : index
    %swap3A_480 = arith.constant 0 : index
    %swap3A_481 = vector.load %arg3[%swap3A_478, %swap3A_479, %swap3A_480] : memref<32x16x768xf32, #tpu.memory_space<vmem>>, vector<1x16x768xf32>
    %swap3A_482 = vector.shape_cast %swap3A_481 : vector<1x16x768xf32> to vector<16x768xf32>
    %swap3A_483 = vector.shape_cast %div3A_477 : vector<16x768xf32> to vector<1x16x768xf32>
    tpu.vector_store %arg3[%swap3A_478, %swap3A_479, %swap3A_480], %swap3A_483 {strides = array<i32>} : memref<32x16x768xf32, #tpu.memory_space<vmem>>, vector<1x16x768xf32>,
    %slice3A_484 = vector.extract_strided_slice %convert_element_type3A_112 {offsets = [15, 0, 0], sizes = [1, 16, 32], strides = [1, 1, 1]} : vector<32x16x32xf32> to vector<1x16x32xf32>
    %squeeze3A_485 = vector.shape_cast %slice3A_484 : vector<1x16x32xf32> to vector<16x32xf32>
    %get3A_486 = arith.constant 15 : index
    %get3A_487 = arith.constant 0 : index
    %get3A_488 = arith.constant 0 : index
    %get3A_489 = vector.load %arg1[%get3A_486, %get3A_487, %get3A_488] : memref<32x32x768xf32, #tpu.memory_space<vmem>>, vector<1x32x768xf32>
    %get3A_490 = vector.shape_cast %get3A_489 : vector<1x32x768xf32> to vector<32x768xf32>
    %dot_general3A_491 = arith.constant dense<0.000000e+00> : vector<16x768xf32>
    %dot_general3A_492 = tpu.matmul %squeeze3A_485, %get3A_490, %dot_general3A_491 {dimension_numbers = #tpu.dot_dimension_numbers<[1], [0], [0], [1], [0, 0, 1, 1], [], []>, precision = #tpu.contract_precision<fp32>, transpose_lhs_hint = false} : vector<16x32xf32>, vector<32x768xf32>, vector<16x768xf32> -> vector<16x768xf32>
    %mul3A_493 = arith.mulf %dot_general3A_492, %dot_general3A_492 : vector<16x768xf32>
    %reduce_sum3A_494 = arith.constant dense<0.000000e+00> : vector<16xf32>
    %reduce_sum3A_495 = vector.multi_reduction <add>, %mul3A_493, %reduce_sum3A_494 [1] : vector<16x768xf32> to vector<16xf32>
    %broadcast_in_dim3A_496 = vector.shape_cast %reduce_sum3A_495 : vector<16xf32> to vector<16x1xf32>
    %sqrt3A_497 = math.sqrt %broadcast_in_dim3A_496 : vector<16x1xf32>
    %max3A_498 = arith.constant 9.99999996E-13 : f32
    %max3A_499 = vector.broadcast %max3A_498 : f32 to vector<16x1xf32>
    %max3A_500 = arith.maximumf %sqrt3A_497, %max3A_499 : vector<16x1xf32>
    %div3A_501 = vector.broadcast %max3A_500 : vector<16x1xf32> to vector<16x768xf32>
    %div3A_502 = arith.divf %dot_general3A_492, %div3A_501 : vector<16x768xf32>
    %swap3A_503 = arith.constant 15 : index
    %swap3A_504 = arith.constant 0 : index
    %swap3A_505 = arith.constant 0 : index
    %swap3A_506 = vector.load %arg3[%swap3A_503, %swap3A_504, %swap3A_505] : memref<32x16x768xf32, #tpu.memory_space<vmem>>, vector<1x16x768xf32>
    %swap3A_507 = vector.shape_cast %swap3A_506 : vector<1x16x768xf32> to vector<16x768xf32>
    %swap3A_508 = vector.shape_cast %div3A_502 : vector<16x768xf32> to vector<1x16x768xf32>
    tpu.vector_store %arg3[%swap3A_503, %swap3A_504, %swap3A_505], %swap3A_508 {strides = array<i32>} : memref<32x16x768xf32, #tpu.memory_space<vmem>>, vector<1x16x768xf32>,
    %slice3A_509 = vector.extract_strided_slice %convert_element_type3A_112 {offsets = [16, 0, 0], sizes = [1, 16, 32], strides = [1, 1, 1]} : vector<32x16x32xf32> to vector<1x16x32xf32>
    %squeeze3A_510 = vector.shape_cast %slice3A_509 : vector<1x16x32xf32> to vector<16x32xf32>
    %get3A_511 = arith.constant 16 : index
    %get3A_512 = arith.constant 0 : index
    %get3A_513 = arith.constant 0 : index
    %get3A_514 = vector.load %arg1[%get3A_511, %get3A_512, %get3A_513] : memref<32x32x768xf32, #tpu.memory_space<vmem>>, vector<1x32x768xf32>
    %get3A_515 = vector.shape_cast %get3A_514 : vector<1x32x768xf32> to vector<32x768xf32>
    %dot_general3A_516 = arith.constant dense<0.000000e+00> : vector<16x768xf32>
    %dot_general3A_517 = tpu.matmul %squeeze3A_510, %get3A_515, %dot_general3A_516 {dimension_numbers = #tpu.dot_dimension_numbers<[1], [0], [0], [1], [0, 0, 1, 1], [], []>, precision = #tpu.contract_precision<fp32>, transpose_lhs_hint = false} : vector<16x32xf32>, vector<32x768xf32>, vector<16x768xf32> -> vector<16x768xf32>
    %mul3A_518 = arith.mulf %dot_general3A_517, %dot_general3A_517 : vector<16x768xf32>
    %reduce_sum3A_519 = arith.constant dense<0.000000e+00> : vector<16xf32>
    %reduce_sum3A_520 = vector.multi_reduction <add>, %mul3A_518, %reduce_sum3A_519 [1] : vector<16x768xf32> to vector<16xf32>
    %broadcast_in_dim3A_521 = vector.shape_cast %reduce_sum3A_520 : vector<16xf32> to vector<16x1xf32>
    %sqrt3A_522 = math.sqrt %broadcast_in_dim3A_521 : vector<16x1xf32>
    %max3A_523 = arith.constant 9.99999996E-13 : f32
    %max3A_524 = vector.broadcast %max3A_523 : f32 to vector<16x1xf32>
    %max3A_525 = arith.maximumf %sqrt3A_522, %max3A_524 : vector<16x1xf32>
    %div3A_526 = vector.broadcast %max3A_525 : vector<16x1xf32> to vector<16x768xf32>
    %div3A_527 = arith.divf %dot_general3A_517, %div3A_526 : vector<16x768xf32>
    %swap3A_528 = arith.constant 16 : index
    %swap3A_529 = arith.constant 0 : index
    %swap3A_530 = arith.constant 0 : index
    %swap3A_531 = vector.load %arg3[%swap3A_528, %swap3A_529, %swap3A_530] : memref<32x16x768xf32, #tpu.memory_space<vmem>>, vector<1x16x768xf32>
    %swap3A_532 = vector.shape_cast %swap3A_531 : vector<1x16x768xf32> to vector<16x768xf32>
    %swap3A_533 = vector.shape_cast %div3A_527 : vector<16x768xf32> to vector<1x16x768xf32>
    tpu.vector_store %arg3[%swap3A_528, %swap3A_529, %swap3A_530], %swap3A_533 {strides = array<i32>} : memref<32x16x768xf32, #tpu.memory_space<vmem>>, vector<1x16x768xf32>,
    %slice3A_534 = vector.extract_strided_slice %convert_element_type3A_112 {offsets = [17, 0, 0], sizes = [1, 16, 32], strides = [1, 1, 1]} : vector<32x16x32xf32> to vector<1x16x32xf32>
    %squeeze3A_535 = vector.shape_cast %slice3A_534 : vector<1x16x32xf32> to vector<16x32xf32>
    %get3A_536 = arith.constant 17 : index
    %get3A_537 = arith.constant 0 : index
    %get3A_538 = arith.constant 0 : index
    %get3A_539 = vector.load %arg1[%get3A_536, %get3A_537, %get3A_538] : memref<32x32x768xf32, #tpu.memory_space<vmem>>, vector<1x32x768xf32>
    %get3A_540 = vector.shape_cast %get3A_539 : vector<1x32x768xf32> to vector<32x768xf32>
    %dot_general3A_541 = arith.constant dense<0.000000e+00> : vector<16x768xf32>
    %dot_general3A_542 = tpu.matmul %squeeze3A_535, %get3A_540, %dot_general3A_541 {dimension_numbers = #tpu.dot_dimension_numbers<[1], [0], [0], [1], [0, 0, 1, 1], [], []>, precision = #tpu.contract_precision<fp32>, transpose_lhs_hint = false} : vector<16x32xf32>, vector<32x768xf32>, vector<16x768xf32> -> vector<16x768xf32>
    %mul3A_543 = arith.mulf %dot_general3A_542, %dot_general3A_542 : vector<16x768xf32>
    %reduce_sum3A_544 = arith.constant dense<0.000000e+00> : vector<16xf32>
    %reduce_sum3A_545 = vector.multi_reduction <add>, %mul3A_543, %reduce_sum3A_544 [1] : vector<16x768xf32> to vector<16xf32>
    %broadcast_in_dim3A_546 = vector.shape_cast %reduce_sum3A_545 : vector<16xf32> to vector<16x1xf32>
    %sqrt3A_547 = math.sqrt %broadcast_in_dim3A_546 : vector<16x1xf32>
    %max3A_548 = arith.constant 9.99999996E-13 : f32
    %max3A_549 = vector.broadcast %max3A_548 : f32 to vector<16x1xf32>
    %max3A_550 = arith.maximumf %sqrt3A_547, %max3A_549 : vector<16x1xf32>
    %div3A_551 = vector.broadcast %max3A_550 : vector<16x1xf32> to vector<16x768xf32>
    %div3A_552 = arith.divf %dot_general3A_542, %div3A_551 : vector<16x768xf32>
    %swap3A_553 = arith.constant 17 : index
    %swap3A_554 = arith.constant 0 : index
    %swap3A_555 = arith.constant 0 : index
    %swap3A_556 = vector.load %arg3[%swap3A_553, %swap3A_554, %swap3A_555] : memref<32x16x768xf32, #tpu.memory_space<vmem>>, vector<1x16x768xf32>
    %swap3A_557 = vector.shape_cast %swap3A_556 : vector<1x16x768xf32> to vector<16x768xf32>
    %swap3A_558 = vector.shape_cast %div3A_552 : vector<16x768xf32> to vector<1x16x768xf32>
    tpu.vector_store %arg3[%swap3A_553, %swap3A_554, %swap3A_555], %swap3A_558 {strides = array<i32>} : memref<32x16x768xf32, #tpu.memory_space<vmem>>, vector<1x16x768xf32>,
    %slice3A_559 = vector.extract_strided_slice %convert_element_type3A_112 {offsets = [18, 0, 0], sizes = [1, 16, 32], strides = [1, 1, 1]} : vector<32x16x32xf32> to vector<1x16x32xf32>
    %squeeze3A_560 = vector.shape_cast %slice3A_559 : vector<1x16x32xf32> to vector<16x32xf32>
    %get3A_561 = arith.constant 18 : index
    %get3A_562 = arith.constant 0 : index
    %get3A_563 = arith.constant 0 : index
    %get3A_564 = vector.load %arg1[%get3A_561, %get3A_562, %get3A_563] : memref<32x32x768xf32, #tpu.memory_space<vmem>>, vector<1x32x768xf32>
    %get3A_565 = vector.shape_cast %get3A_564 : vector<1x32x768xf32> to vector<32x768xf32>
    %dot_general3A_566 = arith.constant dense<0.000000e+00> : vector<16x768xf32>
    %dot_general3A_567 = tpu.matmul %squeeze3A_560, %get3A_565, %dot_general3A_566 {dimension_numbers = #tpu.dot_dimension_numbers<[1], [0], [0], [1], [0, 0, 1, 1], [], []>, precision = #tpu.contract_precision<fp32>, transpose_lhs_hint = false} : vector<16x32xf32>, vector<32x768xf32>, vector<16x768xf32> -> vector<16x768xf32>
    %mul3A_568 = arith.mulf %dot_general3A_567, %dot_general3A_567 : vector<16x768xf32>
    %reduce_sum3A_569 = arith.constant dense<0.000000e+00> : vector<16xf32>
    %reduce_sum3A_570 = vector.multi_reduction <add>, %mul3A_568, %reduce_sum3A_569 [1] : vector<16x768xf32> to vector<16xf32>
    %broadcast_in_dim3A_571 = vector.shape_cast %reduce_sum3A_570 : vector<16xf32> to vector<16x1xf32>
    %sqrt3A_572 = math.sqrt %broadcast_in_dim3A_571 : vector<16x1xf32>
    %max3A_573 = arith.constant 9.99999996E-13 : f32
    %max3A_574 = vector.broadcast %max3A_573 : f32 to vector<16x1xf32>
    %max3A_575 = arith.maximumf %sqrt3A_572, %max3A_574 : vector<16x1xf32>
    %div3A_576 = vector.broadcast %max3A_575 : vector<16x1xf32> to vector<16x768xf32>
    %div3A_577 = arith.divf %dot_general3A_567, %div3A_576 : vector<16x768xf32>
    %swap3A_578 = arith.constant 18 : index
    %swap3A_579 = arith.constant 0 : index
    %swap3A_580 = arith.constant 0 : index
    %swap3A_581 = vector.load %arg3[%swap3A_578, %swap3A_579, %swap3A_580] : memref<32x16x768xf32, #tpu.memory_space<vmem>>, vector<1x16x768xf32>
    %swap3A_582 = vector.shape_cast %swap3A_581 : vector<1x16x768xf32> to vector<16x768xf32>
    %swap3A_583 = vector.shape_cast %div3A_577 : vector<16x768xf32> to vector<1x16x768xf32>
    tpu.vector_store %arg3[%swap3A_578, %swap3A_579, %swap3A_580], %swap3A_583 {strides = array<i32>} : memref<32x16x768xf32, #tpu.memory_space<vmem>>, vector<1x16x768xf32>,
    %slice3A_584 = vector.extract_strided_slice %convert_element_type3A_112 {offsets = [19, 0, 0], sizes = [1, 16, 32], strides = [1, 1, 1]} : vector<32x16x32xf32> to vector<1x16x32xf32>
    %squeeze3A_585 = vector.shape_cast %slice3A_584 : vector<1x16x32xf32> to vector<16x32xf32>
    %get3A_586 = arith.constant 19 : index
    %get3A_587 = arith.constant 0 : index
    %get3A_588 = arith.constant 0 : index
    %get3A_589 = vector.load %arg1[%get3A_586, %get3A_587, %get3A_588] : memref<32x32x768xf32, #tpu.memory_space<vmem>>, vector<1x32x768xf32>
    %get3A_590 = vector.shape_cast %get3A_589 : vector<1x32x768xf32> to vector<32x768xf32>
    %dot_general3A_591 = arith.constant dense<0.000000e+00> : vector<16x768xf32>
    %dot_general3A_592 = tpu.matmul %squeeze3A_585, %get3A_590, %dot_general3A_591 {dimension_numbers = #tpu.dot_dimension_numbers<[1], [0], [0], [1], [0, 0, 1, 1], [], []>, precision = #tpu.contract_precision<fp32>, transpose_lhs_hint = false} : vector<16x32xf32>, vector<32x768xf32>, vector<16x768xf32> -> vector<16x768xf32>
    %mul3A_593 = arith.mulf %dot_general3A_592, %dot_general3A_592 : vector<16x768xf32>
    %reduce_sum3A_594 = arith.constant dense<0.000000e+00> : vector<16xf32>
    %reduce_sum3A_595 = vector.multi_reduction <add>, %mul3A_593, %reduce_sum3A_594 [1] : vector<16x768xf32> to vector<16xf32>
    %broadcast_in_dim3A_596 = vector.shape_cast %reduce_sum3A_595 : vector<16xf32> to vector<16x1xf32>
    %sqrt3A_597 = math.sqrt %broadcast_in_dim3A_596 : vector<16x1xf32>
    %max3A_598 = arith.constant 9.99999996E-13 : f32
    %max3A_599 = vector.broadcast %max3A_598 : f32 to vector<16x1xf32>
    %max3A_600 = arith.maximumf %sqrt3A_597, %max3A_599 : vector<16x1xf32>
    %div3A_601 = vector.broadcast %max3A_600 : vector<16x1xf32> to vector<16x768xf32>
    %div3A_602 = arith.divf %dot_general3A_592, %div3A_601 : vector<16x768xf32>
    %swap3A_603 = arith.constant 19 : index
    %swap3A_604 = arith.constant 0 : index
    %swap3A_605 = arith.constant 0 : index
    %swap3A_606 = vector.load %arg3[%swap3A_603, %swap3A_604, %swap3A_605] : memref<32x16x768xf32, #tpu.memory_space<vmem>>, vector<1x16x768xf32>
    %swap3A_607 = vector.shape_cast %swap3A_606 : vector<1x16x768xf32> to vector<16x768xf32>
    %swap3A_608 = vector.shape_cast %div3A_602 : vector<16x768xf32> to vector<1x16x768xf32>
    tpu.vector_store %arg3[%swap3A_603, %swap3A_604, %swap3A_605], %swap3A_608 {strides = array<i32>} : memref<32x16x768xf32, #tpu.memory_space<vmem>>, vector<1x16x768xf32>,
    %slice3A_609 = vector.extract_strided_slice %convert_element_type3A_112 {offsets = [20, 0, 0], sizes = [1, 16, 32], strides = [1, 1, 1]} : vector<32x16x32xf32> to vector<1x16x32xf32>
    %squeeze3A_610 = vector.shape_cast %slice3A_609 : vector<1x16x32xf32> to vector<16x32xf32>
    %get3A_611 = arith.constant 20 : index
    %get3A_612 = arith.constant 0 : index
    %get3A_613 = arith.constant 0 : index
    %get3A_614 = vector.load %arg1[%get3A_611, %get3A_612, %get3A_613] : memref<32x32x768xf32, #tpu.memory_space<vmem>>, vector<1x32x768xf32>
    %get3A_615 = vector.shape_cast %get3A_614 : vector<1x32x768xf32> to vector<32x768xf32>
    %dot_general3A_616 = arith.constant dense<0.000000e+00> : vector<16x768xf32>
    %dot_general3A_617 = tpu.matmul %squeeze3A_610, %get3A_615, %dot_general3A_616 {dimension_numbers = #tpu.dot_dimension_numbers<[1], [0], [0], [1], [0, 0, 1, 1], [], []>, precision = #tpu.contract_precision<fp32>, transpose_lhs_hint = false} : vector<16x32xf32>, vector<32x768xf32>, vector<16x768xf32> -> vector<16x768xf32>
    %mul3A_618 = arith.mulf %dot_general3A_617, %dot_general3A_617 : vector<16x768xf32>
    %reduce_sum3A_619 = arith.constant dense<0.000000e+00> : vector<16xf32>
    %reduce_sum3A_620 = vector.multi_reduction <add>, %mul3A_618, %reduce_sum3A_619 [1] : vector<16x768xf32> to vector<16xf32>
    %broadcast_in_dim3A_621 = vector.shape_cast %reduce_sum3A_620 : vector<16xf32> to vector<16x1xf32>
    %sqrt3A_622 = math.sqrt %broadcast_in_dim3A_621 : vector<16x1xf32>
    %max3A_623 = arith.constant 9.99999996E-13 : f32
    %max3A_624 = vector.broadcast %max3A_623 : f32 to vector<16x1xf32>
    %max3A_625 = arith.maximumf %sqrt3A_622, %max3A_624 : vector<16x1xf32>
    %div3A_626 = vector.broadcast %max3A_625 : vector<16x1xf32> to vector<16x768xf32>
    %div3A_627 = arith.divf %dot_general3A_617, %div3A_626 : vector<16x768xf32>
    %swap3A_628 = arith.constant 20 : index
    %swap3A_629 = arith.constant 0 : index
    %swap3A_630 = arith.constant 0 : index
    %swap3A_631 = vector.load %arg3[%swap3A_628, %swap3A_629, %swap3A_630] : memref<32x16x768xf32, #tpu.memory_space<vmem>>, vector<1x16x768xf32>
    %swap3A_632 = vector.shape_cast %swap3A_631 : vector<1x16x768xf32> to vector<16x768xf32>
    %swap3A_633 = vector.shape_cast %div3A_627 : vector<16x768xf32> to vector<1x16x768xf32>
    tpu.vector_store %arg3[%swap3A_628, %swap3A_629, %swap3A_630], %swap3A_633 {strides = array<i32>} : memref<32x16x768xf32, #tpu.memory_space<vmem>>, vector<1x16x768xf32>,
    %slice3A_634 = vector.extract_strided_slice %convert_element_type3A_112 {offsets = [21, 0, 0], sizes = [1, 16, 32], strides = [1, 1, 1]} : vector<32x16x32xf32> to vector<1x16x32xf32>
    %squeeze3A_635 = vector.shape_cast %slice3A_634 : vector<1x16x32xf32> to vector<16x32xf32>
    %get3A_636 = arith.constant 21 : index
    %get3A_637 = arith.constant 0 : index
    %get3A_638 = arith.constant 0 : index
    %get3A_639 = vector.load %arg1[%get3A_636, %get3A_637, %get3A_638] : memref<32x32x768xf32, #tpu.memory_space<vmem>>, vector<1x32x768xf32>
    %get3A_640 = vector.shape_cast %get3A_639 : vector<1x32x768xf32> to vector<32x768xf32>
    %dot_general3A_641 = arith.constant dense<0.000000e+00> : vector<16x768xf32>
    %dot_general3A_642 = tpu.matmul %squeeze3A_635, %get3A_640, %dot_general3A_641 {dimension_numbers = #tpu.dot_dimension_numbers<[1], [0], [0], [1], [0, 0, 1, 1], [], []>, precision = #tpu.contract_precision<fp32>, transpose_lhs_hint = false} : vector<16x32xf32>, vector<32x768xf32>, vector<16x768xf32> -> vector<16x768xf32>
    %mul3A_643 = arith.mulf %dot_general3A_642, %dot_general3A_642 : vector<16x768xf32>
    %reduce_sum3A_644 = arith.constant dense<0.000000e+00> : vector<16xf32>
    %reduce_sum3A_645 = vector.multi_reduction <add>, %mul3A_643, %reduce_sum3A_644 [1] : vector<16x768xf32> to vector<16xf32>
    %broadcast_in_dim3A_646 = vector.shape_cast %reduce_sum3A_645 : vector<16xf32> to vector<16x1xf32>
    %sqrt3A_647 = math.sqrt %broadcast_in_dim3A_646 : vector<16x1xf32>
    %max3A_648 = arith.constant 9.99999996E-13 : f32
    %max3A_649 = vector.broadcast %max3A_648 : f32 to vector<16x1xf32>
    %max3A_650 = arith.maximumf %sqrt3A_647, %max3A_649 : vector<16x1xf32>
    %div3A_651 = vector.broadcast %max3A_650 : vector<16x1xf32> to vector<16x768xf32>
    %div3A_652 = arith.divf %dot_general3A_642, %div3A_651 : vector<16x768xf32>
    %swap3A_653 = arith.constant 21 : index
    %swap3A_654 = arith.constant 0 : index
    %swap3A_655 = arith.constant 0 : index
    %swap3A_656 = vector.load %arg3[%swap3A_653, %swap3A_654, %swap3A_655] : memref<32x16x768xf32, #tpu.memory_space<vmem>>, vector<1x16x768xf32>
    %swap3A_657 = vector.shape_cast %swap3A_656 : vector<1x16x768xf32> to vector<16x768xf32>
    %swap3A_658 = vector.shape_cast %div3A_652 : vector<16x768xf32> to vector<1x16x768xf32>
    tpu.vector_store %arg3[%swap3A_653, %swap3A_654, %swap3A_655], %swap3A_658 {strides = array<i32>} : memref<32x16x768xf32, #tpu.memory_space<vmem>>, vector<1x16x768xf32>,
    %slice3A_659 = vector.extract_strided_slice %convert_element_type3A_112 {offsets = [22, 0, 0], sizes = [1, 16, 32], strides = [1, 1, 1]} : vector<32x16x32xf32> to vector<1x16x32xf32>
    %squeeze3A_660 = vector.shape_cast %slice3A_659 : vector<1x16x32xf32> to vector<16x32xf32>
    %get3A_661 = arith.constant 22 : index
    %get3A_662 = arith.constant 0 : index
    %get3A_663 = arith.constant 0 : index
    %get3A_664 = vector.load %arg1[%get3A_661, %get3A_662, %get3A_663] : memref<32x32x768xf32, #tpu.memory_space<vmem>>, vector<1x32x768xf32>
    %get3A_665 = vector.shape_cast %get3A_664 : vector<1x32x768xf32> to vector<32x768xf32>
    %dot_general3A_666 = arith.constant dense<0.000000e+00> : vector<16x768xf32>
    %dot_general3A_667 = tpu.matmul %squeeze3A_660, %get3A_665, %dot_general3A_666 {dimension_numbers = #tpu.dot_dimension_numbers<[1], [0], [0], [1], [0, 0, 1, 1], [], []>, precision = #tpu.contract_precision<fp32>, transpose_lhs_hint = false} : vector<16x32xf32>, vector<32x768xf32>, vector<16x768xf32> -> vector<16x768xf32>
    %mul3A_668 = arith.mulf %dot_general3A_667, %dot_general3A_667 : vector<16x768xf32>
    %reduce_sum3A_669 = arith.constant dense<0.000000e+00> : vector<16xf32>
    %reduce_sum3A_670 = vector.multi_reduction <add>, %mul3A_668, %reduce_sum3A_669 [1] : vector<16x768xf32> to vector<16xf32>
    %broadcast_in_dim3A_671 = vector.shape_cast %reduce_sum3A_670 : vector<16xf32> to vector<16x1xf32>
    %sqrt3A_672 = math.sqrt %broadcast_in_dim3A_671 : vector<16x1xf32>
    %max3A_673 = arith.constant 9.99999996E-13 : f32
    %max3A_674 = vector.broadcast %max3A_673 : f32 to vector<16x1xf32>
    %max3A_675 = arith.maximumf %sqrt3A_672, %max3A_674 : vector<16x1xf32>
    %div3A_676 = vector.broadcast %max3A_675 : vector<16x1xf32> to vector<16x768xf32>
    %div3A_677 = arith.divf %dot_general3A_667, %div3A_676 : vector<16x768xf32>
    %swap3A_678 = arith.constant 22 : index
    %swap3A_679 = arith.constant 0 : index
    %swap3A_680 = arith.constant 0 : index
    %swap3A_681 = vector.load %arg3[%swap3A_678, %swap3A_679, %swap3A_680] : memref<32x16x768xf32, #tpu.memory_space<vmem>>, vector<1x16x768xf32>
    %swap3A_682 = vector.shape_cast %swap3A_681 : vector<1x16x768xf32> to vector<16x768xf32>
    %swap3A_683 = vector.shape_cast %div3A_677 : vector<16x768xf32> to vector<1x16x768xf32>
    tpu.vector_store %arg3[%swap3A_678, %swap3A_679, %swap3A_680], %swap3A_683 {strides = array<i32>} : memref<32x16x768xf32, #tpu.memory_space<vmem>>, vector<1x16x768xf32>,
    %slice3A_684 = vector.extract_strided_slice %convert_element_type3A_112 {offsets = [23, 0, 0], sizes = [1, 16, 32], strides = [1, 1, 1]} : vector<32x16x32xf32> to vector<1x16x32xf32>
    %squeeze3A_685 = vector.shape_cast %slice3A_684 : vector<1x16x32xf32> to vector<16x32xf32>
    %get3A_686 = arith.constant 23 : index
    %get3A_687 = arith.constant 0 : index
    %get3A_688 = arith.constant 0 : index
    %get3A_689 = vector.load %arg1[%get3A_686, %get3A_687, %get3A_688] : memref<32x32x768xf32, #tpu.memory_space<vmem>>, vector<1x32x768xf32>
    %get3A_690 = vector.shape_cast %get3A_689 : vector<1x32x768xf32> to vector<32x768xf32>
    %dot_general3A_691 = arith.constant dense<0.000000e+00> : vector<16x768xf32>
    %dot_general3A_692 = tpu.matmul %squeeze3A_685, %get3A_690, %dot_general3A_691 {dimension_numbers = #tpu.dot_dimension_numbers<[1], [0], [0], [1], [0, 0, 1, 1], [], []>, precision = #tpu.contract_precision<fp32>, transpose_lhs_hint = false} : vector<16x32xf32>, vector<32x768xf32>, vector<16x768xf32> -> vector<16x768xf32>
    %mul3A_693 = arith.mulf %dot_general3A_692, %dot_general3A_692 : vector<16x768xf32>
    %reduce_sum3A_694 = arith.constant dense<0.000000e+00> : vector<16xf32>
    %reduce_sum3A_695 = vector.multi_reduction <add>, %mul3A_693, %reduce_sum3A_694 [1] : vector<16x768xf32> to vector<16xf32>
    %broadcast_in_dim3A_696 = vector.shape_cast %reduce_sum3A_695 : vector<16xf32> to vector<16x1xf32>
    %sqrt3A_697 = math.sqrt %broadcast_in_dim3A_696 : vector<16x1xf32>
    %max3A_698 = arith.constant 9.99999996E-13 : f32
    %max3A_699 = vector.broadcast %max3A_698 : f32 to vector<16x1xf32>
    %max3A_700 = arith.maximumf %sqrt3A_697, %max3A_699 : vector<16x1xf32>
    %div3A_701 = vector.broadcast %max3A_700 : vector<16x1xf32> to vector<16x768xf32>
    %div3A_702 = arith.divf %dot_general3A_692, %div3A_701 : vector<16x768xf32>
    %swap3A_703 = arith.constant 23 : index
    %swap3A_704 = arith.constant 0 : index
    %swap3A_705 = arith.constant 0 : index
    %swap3A_706 = vector.load %arg3[%swap3A_703, %swap3A_704, %swap3A_705] : memref<32x16x768xf32, #tpu.memory_space<vmem>>, vector<1x16x768xf32>
    %swap3A_707 = vector.shape_cast %swap3A_706 : vector<1x16x768xf32> to vector<16x768xf32>
    %swap3A_708 = vector.shape_cast %div3A_702 : vector<16x768xf32> to vector<1x16x768xf32>
    tpu.vector_store %arg3[%swap3A_703, %swap3A_704, %swap3A_705], %swap3A_708 {strides = array<i32>} : memref<32x16x768xf32, #tpu.memory_space<vmem>>, vector<1x16x768xf32>,
    %slice3A_709 = vector.extract_strided_slice %convert_element_type3A_112 {offsets = [24, 0, 0], sizes = [1, 16, 32], strides = [1, 1, 1]} : vector<32x16x32xf32> to vector<1x16x32xf32>
    %squeeze3A_710 = vector.shape_cast %slice3A_709 : vector<1x16x32xf32> to vector<16x32xf32>
    %get3A_711 = arith.constant 24 : index
    %get3A_712 = arith.constant 0 : index
    %get3A_713 = arith.constant 0 : index
    %get3A_714 = vector.load %arg1[%get3A_711, %get3A_712, %get3A_713] : memref<32x32x768xf32, #tpu.memory_space<vmem>>, vector<1x32x768xf32>
    %get3A_715 = vector.shape_cast %get3A_714 : vector<1x32x768xf32> to vector<32x768xf32>
    %dot_general3A_716 = arith.constant dense<0.000000e+00> : vector<16x768xf32>
    %dot_general3A_717 = tpu.matmul %squeeze3A_710, %get3A_715, %dot_general3A_716 {dimension_numbers = #tpu.dot_dimension_numbers<[1], [0], [0], [1], [0, 0, 1, 1], [], []>, precision = #tpu.contract_precision<fp32>, transpose_lhs_hint = false} : vector<16x32xf32>, vector<32x768xf32>, vector<16x768xf32> -> vector<16x768xf32>
    %mul3A_718 = arith.mulf %dot_general3A_717, %dot_general3A_717 : vector<16x768xf32>
    %reduce_sum3A_719 = arith.constant dense<0.000000e+00> : vector<16xf32>
    %reduce_sum3A_720 = vector.multi_reduction <add>, %mul3A_718, %reduce_sum3A_719 [1] : vector<16x768xf32> to vector<16xf32>
    %broadcast_in_dim3A_721 = vector.shape_cast %reduce_sum3A_720 : vector<16xf32> to vector<16x1xf32>
    %sqrt3A_722 = math.sqrt %broadcast_in_dim3A_721 : vector<16x1xf32>
    %max3A_723 = arith.constant 9.99999996E-13 : f32
    %max3A_724 = vector.broadcast %max3A_723 : f32 to vector<16x1xf32>
    %max3A_725 = arith.maximumf %sqrt3A_722, %max3A_724 : vector<16x1xf32>
    %div3A_726 = vector.broadcast %max3A_725 : vector<16x1xf32> to vector<16x768xf32>
    %div3A_727 = arith.divf %dot_general3A_717, %div3A_726 : vector<16x768xf32>
    %swap3A_728 = arith.constant 24 : index
    %swap3A_729 = arith.constant 0 : index
    %swap3A_730 = arith.constant 0 : index
    %swap3A_731 = vector.load %arg3[%swap3A_728, %swap3A_729, %swap3A_730] : memref<32x16x768xf32, #tpu.memory_space<vmem>>, vector<1x16x768xf32>
    %swap3A_732 = vector.shape_cast %swap3A_731 : vector<1x16x768xf32> to vector<16x768xf32>
    %swap3A_733 = vector.shape_cast %div3A_727 : vector<16x768xf32> to vector<1x16x768xf32>
    tpu.vector_store %arg3[%swap3A_728, %swap3A_729, %swap3A_730], %swap3A_733 {strides = array<i32>} : memref<32x16x768xf32, #tpu.memory_space<vmem>>, vector<1x16x768xf32>,
    %slice3A_734 = vector.extract_strided_slice %convert_element_type3A_112 {offsets = [25, 0, 0], sizes = [1, 16, 32], strides = [1, 1, 1]} : vector<32x16x32xf32> to vector<1x16x32xf32>
    %squeeze3A_735 = vector.shape_cast %slice3A_734 : vector<1x16x32xf32> to vector<16x32xf32>
    %get3A_736 = arith.constant 25 : index
    %get3A_737 = arith.constant 0 : index
    %get3A_738 = arith.constant 0 : index
    %get3A_739 = vector.load %arg1[%get3A_736, %get3A_737, %get3A_738] : memref<32x32x768xf32, #tpu.memory_space<vmem>>, vector<1x32x768xf32>
    %get3A_740 = vector.shape_cast %get3A_739 : vector<1x32x768xf32> to vector<32x768xf32>
    %dot_general3A_741 = arith.constant dense<0.000000e+00> : vector<16x768xf32>
    %dot_general3A_742 = tpu.matmul %squeeze3A_735, %get3A_740, %dot_general3A_741 {dimension_numbers = #tpu.dot_dimension_numbers<[1], [0], [0], [1], [0, 0, 1, 1], [], []>, precision = #tpu.contract_precision<fp32>, transpose_lhs_hint = false} : vector<16x32xf32>, vector<32x768xf32>, vector<16x768xf32> -> vector<16x768xf32>
    %mul3A_743 = arith.mulf %dot_general3A_742, %dot_general3A_742 : vector<16x768xf32>
    %reduce_sum3A_744 = arith.constant dense<0.000000e+00> : vector<16xf32>
    %reduce_sum3A_745 = vector.multi_reduction <add>, %mul3A_743, %reduce_sum3A_744 [1] : vector<16x768xf32> to vector<16xf32>
    %broadcast_in_dim3A_746 = vector.shape_cast %reduce_sum3A_745 : vector<16xf32> to vector<16x1xf32>
    %sqrt3A_747 = math.sqrt %broadcast_in_dim3A_746 : vector<16x1xf32>
    %max3A_748 = arith.constant 9.99999996E-13 : f32
    %max3A_749 = vector.broadcast %max3A_748 : f32 to vector<16x1xf32>
    %max3A_750 = arith.maximumf %sqrt3A_747, %max3A_749 : vector<16x1xf32>
    %div3A_751 = vector.broadcast %max3A_750 : vector<16x1xf32> to vector<16x768xf32>
    %div3A_752 = arith.divf %dot_general3A_742, %div3A_751 : vector<16x768xf32>
    %swap3A_753 = arith.constant 25 : index
    %swap3A_754 = arith.constant 0 : index
    %swap3A_755 = arith.constant 0 : index
    %swap3A_756 = vector.load %arg3[%swap3A_753, %swap3A_754, %swap3A_755] : memref<32x16x768xf32, #tpu.memory_space<vmem>>, vector<1x16x768xf32>
    %swap3A_757 = vector.shape_cast %swap3A_756 : vector<1x16x768xf32> to vector<16x768xf32>
    %swap3A_758 = vector.shape_cast %div3A_752 : vector<16x768xf32> to vector<1x16x768xf32>
    tpu.vector_store %arg3[%swap3A_753, %swap3A_754, %swap3A_755], %swap3A_758 {strides = array<i32>} : memref<32x16x768xf32, #tpu.memory_space<vmem>>, vector<1x16x768xf32>,
    %slice3A_759 = vector.extract_strided_slice %convert_element_type3A_112 {offsets = [26, 0, 0], sizes = [1, 16, 32], strides = [1, 1, 1]} : vector<32x16x32xf32> to vector<1x16x32xf32>
    %squeeze3A_760 = vector.shape_cast %slice3A_759 : vector<1x16x32xf32> to vector<16x32xf32>
    %get3A_761 = arith.constant 26 : index
    %get3A_762 = arith.constant 0 : index
    %get3A_763 = arith.constant 0 : index
    %get3A_764 = vector.load %arg1[%get3A_761, %get3A_762, %get3A_763] : memref<32x32x768xf32, #tpu.memory_space<vmem>>, vector<1x32x768xf32>
    %get3A_765 = vector.shape_cast %get3A_764 : vector<1x32x768xf32> to vector<32x768xf32>
    %dot_general3A_766 = arith.constant dense<0.000000e+00> : vector<16x768xf32>
    %dot_general3A_767 = tpu.matmul %squeeze3A_760, %get3A_765, %dot_general3A_766 {dimension_numbers = #tpu.dot_dimension_numbers<[1], [0], [0], [1], [0, 0, 1, 1], [], []>, precision = #tpu.contract_precision<fp32>, transpose_lhs_hint = false} : vector<16x32xf32>, vector<32x768xf32>, vector<16x768xf32> -> vector<16x768xf32>
    %mul3A_768 = arith.mulf %dot_general3A_767, %dot_general3A_767 : vector<16x768xf32>
    %reduce_sum3A_769 = arith.constant dense<0.000000e+00> : vector<16xf32>
    %reduce_sum3A_770 = vector.multi_reduction <add>, %mul3A_768, %reduce_sum3A_769 [1] : vector<16x768xf32> to vector<16xf32>
    %broadcast_in_dim3A_771 = vector.shape_cast %reduce_sum3A_770 : vector<16xf32> to vector<16x1xf32>
    %sqrt3A_772 = math.sqrt %broadcast_in_dim3A_771 : vector<16x1xf32>
    %max3A_773 = arith.constant 9.99999996E-13 : f32
    %max3A_774 = vector.broadcast %max3A_773 : f32 to vector<16x1xf32>
    %max3A_775 = arith.maximumf %sqrt3A_772, %max3A_774 : vector<16x1xf32>
    %div3A_776 = vector.broadcast %max3A_775 : vector<16x1xf32> to vector<16x768xf32>
    %div3A_777 = arith.divf %dot_general3A_767, %div3A_776 : vector<16x768xf32>
    %swap3A_778 = arith.constant 26 : index
    %swap3A_779 = arith.constant 0 : index
    %swap3A_780 = arith.constant 0 : index
    %swap3A_781 = vector.load %arg3[%swap3A_778, %swap3A_779, %swap3A_780] : memref<32x16x768xf32, #tpu.memory_space<vmem>>, vector<1x16x768xf32>
    %swap3A_782 = vector.shape_cast %swap3A_781 : vector<1x16x768xf32> to vector<16x768xf32>
    %swap3A_783 = vector.shape_cast %div3A_777 : vector<16x768xf32> to vector<1x16x768xf32>
    tpu.vector_store %arg3[%swap3A_778, %swap3A_779, %swap3A_780], %swap3A_783 {strides = array<i32>} : memref<32x16x768xf32, #tpu.memory_space<vmem>>, vector<1x16x768xf32>,
    %slice3A_784 = vector.extract_strided_slice %convert_element_type3A_112 {offsets = [27, 0, 0], sizes = [1, 16, 32], strides = [1, 1, 1]} : vector<32x16x32xf32> to vector<1x16x32xf32>
    %squeeze3A_785 = vector.shape_cast %slice3A_784 : vector<1x16x32xf32> to vector<16x32xf32>
    %get3A_786 = arith.constant 27 : index
    %get3A_787 = arith.constant 0 : index
    %get3A_788 = arith.constant 0 : index
    %get3A_789 = vector.load %arg1[%get3A_786, %get3A_787, %get3A_788] : memref<32x32x768xf32, #tpu.memory_space<vmem>>, vector<1x32x768xf32>
    %get3A_790 = vector.shape_cast %get3A_789 : vector<1x32x768xf32> to vector<32x768xf32>
    %dot_general3A_791 = arith.constant dense<0.000000e+00> : vector<16x768xf32>
    %dot_general3A_792 = tpu.matmul %squeeze3A_785, %get3A_790, %dot_general3A_791 {dimension_numbers = #tpu.dot_dimension_numbers<[1], [0], [0], [1], [0, 0, 1, 1], [], []>, precision = #tpu.contract_precision<fp32>, transpose_lhs_hint = false} : vector<16x32xf32>, vector<32x768xf32>, vector<16x768xf32> -> vector<16x768xf32>
    %mul3A_793 = arith.mulf %dot_general3A_792, %dot_general3A_792 : vector<16x768xf32>
    %reduce_sum3A_794 = arith.constant dense<0.000000e+00> : vector<16xf32>
    %reduce_sum3A_795 = vector.multi_reduction <add>, %mul3A_793, %reduce_sum3A_794 [1] : vector<16x768xf32> to vector<16xf32>
    %broadcast_in_dim3A_796 = vector.shape_cast %reduce_sum3A_795 : vector<16xf32> to vector<16x1xf32>
    %sqrt3A_797 = math.sqrt %broadcast_in_dim3A_796 : vector<16x1xf32>
    %max3A_798 = arith.constant 9.99999996E-13 : f32
    %max3A_799 = vector.broadcast %max3A_798 : f32 to vector<16x1xf32>
    %max3A_800 = arith.maximumf %sqrt3A_797, %max3A_799 : vector<16x1xf32>
    %div3A_801 = vector.broadcast %max3A_800 : vector<16x1xf32> to vector<16x768xf32>
    %div3A_802 = arith.divf %dot_general3A_792, %div3A_801 : vector<16x768xf32>
    %swap3A_803 = arith.constant 27 : index
    %swap3A_804 = arith.constant 0 : index
    %swap3A_805 = arith.constant 0 : index
    %swap3A_806 = vector.load %arg3[%swap3A_803, %swap3A_804, %swap3A_805] : memref<32x16x768xf32, #tpu.memory_space<vmem>>, vector<1x16x768xf32>
    %swap3A_807 = vector.shape_cast %swap3A_806 : vector<1x16x768xf32> to vector<16x768xf32>
    %swap3A_808 = vector.shape_cast %div3A_802 : vector<16x768xf32> to vector<1x16x768xf32>
    tpu.vector_store %arg3[%swap3A_803, %swap3A_804, %swap3A_805], %swap3A_808 {strides = array<i32>} : memref<32x16x768xf32, #tpu.memory_space<vmem>>, vector<1x16x768xf32>,
    %slice3A_809 = vector.extract_strided_slice %convert_element_type3A_112 {offsets = [28, 0, 0], sizes = [1, 16, 32], strides = [1, 1, 1]} : vector<32x16x32xf32> to vector<1x16x32xf32>
    %squeeze3A_810 = vector.shape_cast %slice3A_809 : vector<1x16x32xf32> to vector<16x32xf32>
    %get3A_811 = arith.constant 28 : index
    %get3A_812 = arith.constant 0 : index
    %get3A_813 = arith.constant 0 : index
    %get3A_814 = vector.load %arg1[%get3A_811, %get3A_812, %get3A_813] : memref<32x32x768xf32, #tpu.memory_space<vmem>>, vector<1x32x768xf32>
    %get3A_815 = vector.shape_cast %get3A_814 : vector<1x32x768xf32> to vector<32x768xf32>
    %dot_general3A_816 = arith.constant dense<0.000000e+00> : vector<16x768xf32>
    %dot_general3A_817 = tpu.matmul %squeeze3A_810, %get3A_815, %dot_general3A_816 {dimension_numbers = #tpu.dot_dimension_numbers<[1], [0], [0], [1], [0, 0, 1, 1], [], []>, precision = #tpu.contract_precision<fp32>, transpose_lhs_hint = false} : vector<16x32xf32>, vector<32x768xf32>, vector<16x768xf32> -> vector<16x768xf32>
    %mul3A_818 = arith.mulf %dot_general3A_817, %dot_general3A_817 : vector<16x768xf32>
    %reduce_sum3A_819 = arith.constant dense<0.000000e+00> : vector<16xf32>
    %reduce_sum3A_820 = vector.multi_reduction <add>, %mul3A_818, %reduce_sum3A_819 [1] : vector<16x768xf32> to vector<16xf32>
    %broadcast_in_dim3A_821 = vector.shape_cast %reduce_sum3A_820 : vector<16xf32> to vector<16x1xf32>
    %sqrt3A_822 = math.sqrt %broadcast_in_dim3A_821 : vector<16x1xf32>
    %max3A_823 = arith.constant 9.99999996E-13 : f32
    %max3A_824 = vector.broadcast %max3A_823 : f32 to vector<16x1xf32>
    %max3A_825 = arith.maximumf %sqrt3A_822, %max3A_824 : vector<16x1xf32>
    %div3A_826 = vector.broadcast %max3A_825 : vector<16x1xf32> to vector<16x768xf32>
    %div3A_827 = arith.divf %dot_general3A_817, %div3A_826 : vector<16x768xf32>
    %swap3A_828 = arith.constant 28 : index
    %swap3A_829 = arith.constant 0 : index
    %swap3A_830 = arith.constant 0 : index
    %swap3A_831 = vector.load %arg3[%swap3A_828, %swap3A_829, %swap3A_830] : memref<32x16x768xf32, #tpu.memory_space<vmem>>, vector<1x16x768xf32>
    %swap3A_832 = vector.shape_cast %swap3A_831 : vector<1x16x768xf32> to vector<16x768xf32>
    %swap3A_833 = vector.shape_cast %div3A_827 : vector<16x768xf32> to vector<1x16x768xf32>
    tpu.vector_store %arg3[%swap3A_828, %swap3A_829, %swap3A_830], %swap3A_833 {strides = array<i32>} : memref<32x16x768xf32, #tpu.memory_space<vmem>>, vector<1x16x768xf32>,
    %slice3A_834 = vector.extract_strided_slice %convert_element_type3A_112 {offsets = [29, 0, 0], sizes = [1, 16, 32], strides = [1, 1, 1]} : vector<32x16x32xf32> to vector<1x16x32xf32>
    %squeeze3A_835 = vector.shape_cast %slice3A_834 : vector<1x16x32xf32> to vector<16x32xf32>
    %get3A_836 = arith.constant 29 : index
    %get3A_837 = arith.constant 0 : index
    %get3A_838 = arith.constant 0 : index
    %get3A_839 = vector.load %arg1[%get3A_836, %get3A_837, %get3A_838] : memref<32x32x768xf32, #tpu.memory_space<vmem>>, vector<1x32x768xf32>
    %get3A_840 = vector.shape_cast %get3A_839 : vector<1x32x768xf32> to vector<32x768xf32>
    %dot_general3A_841 = arith.constant dense<0.000000e+00> : vector<16x768xf32>
    %dot_general3A_842 = tpu.matmul %squeeze3A_835, %get3A_840, %dot_general3A_841 {dimension_numbers = #tpu.dot_dimension_numbers<[1], [0], [0], [1], [0, 0, 1, 1], [], []>, precision = #tpu.contract_precision<fp32>, transpose_lhs_hint = false} : vector<16x32xf32>, vector<32x768xf32>, vector<16x768xf32> -> vector<16x768xf32>
    %mul3A_843 = arith.mulf %dot_general3A_842, %dot_general3A_842 : vector<16x768xf32>
    %reduce_sum3A_844 = arith.constant dense<0.000000e+00> : vector<16xf32>
    %reduce_sum3A_845 = vector.multi_reduction <add>, %mul3A_843, %reduce_sum3A_844 [1] : vector<16x768xf32> to vector<16xf32>
    %broadcast_in_dim3A_846 = vector.shape_cast %reduce_sum3A_845 : vector<16xf32> to vector<16x1xf32>
    %sqrt3A_847 = math.sqrt %broadcast_in_dim3A_846 : vector<16x1xf32>
    %max3A_848 = arith.constant 9.99999996E-13 : f32
    %max3A_849 = vector.broadcast %max3A_848 : f32 to vector<16x1xf32>
    %max3A_850 = arith.maximumf %sqrt3A_847, %max3A_849 : vector<16x1xf32>
    %div3A_851 = vector.broadcast %max3A_850 : vector<16x1xf32> to vector<16x768xf32>
    %div3A_852 = arith.divf %dot_general3A_842, %div3A_851 : vector<16x768xf32>
    %swap3A_853 = arith.constant 29 : index
    %swap3A_854 = arith.constant 0 : index
    %swap3A_855 = arith.constant 0 : index
    %swap3A_856 = vector.load %arg3[%swap3A_853, %swap3A_854, %swap3A_855] : memref<32x16x768xf32, #tpu.memory_space<vmem>>, vector<1x16x768xf32>
    %swap3A_857 = vector.shape_cast %swap3A_856 : vector<1x16x768xf32> to vector<16x768xf32>
    %swap3A_858 = vector.shape_cast %div3A_852 : vector<16x768xf32> to vector<1x16x768xf32>
    tpu.vector_store %arg3[%swap3A_853, %swap3A_854, %swap3A_855], %swap3A_858 {strides = array<i32>} : memref<32x16x768xf32, #tpu.memory_space<vmem>>, vector<1x16x768xf32>,
    %slice3A_859 = vector.extract_strided_slice %convert_element_type3A_112 {offsets = [30, 0, 0], sizes = [1, 16, 32], strides = [1, 1, 1]} : vector<32x16x32xf32> to vector<1x16x32xf32>
    %squeeze3A_860 = vector.shape_cast %slice3A_859 : vector<1x16x32xf32> to vector<16x32xf32>
    %get3A_861 = arith.constant 30 : index
    %get3A_862 = arith.constant 0 : index
    %get3A_863 = arith.constant 0 : index
    %get3A_864 = vector.load %arg1[%get3A_861, %get3A_862, %get3A_863] : memref<32x32x768xf32, #tpu.memory_space<vmem>>, vector<1x32x768xf32>
    %get3A_865 = vector.shape_cast %get3A_864 : vector<1x32x768xf32> to vector<32x768xf32>
    %dot_general3A_866 = arith.constant dense<0.000000e+00> : vector<16x768xf32>
    %dot_general3A_867 = tpu.matmul %squeeze3A_860, %get3A_865, %dot_general3A_866 {dimension_numbers = #tpu.dot_dimension_numbers<[1], [0], [0], [1], [0, 0, 1, 1], [], []>, precision = #tpu.contract_precision<fp32>, transpose_lhs_hint = false} : vector<16x32xf32>, vector<32x768xf32>, vector<16x768xf32> -> vector<16x768xf32>
    %mul3A_868 = arith.mulf %dot_general3A_867, %dot_general3A_867 : vector<16x768xf32>
    %reduce_sum3A_869 = arith.constant dense<0.000000e+00> : vector<16xf32>
    %reduce_sum3A_870 = vector.multi_reduction <add>, %mul3A_868, %reduce_sum3A_869 [1] : vector<16x768xf32> to vector<16xf32>
    %broadcast_in_dim3A_871 = vector.shape_cast %reduce_sum3A_870 : vector<16xf32> to vector<16x1xf32>
    %sqrt3A_872 = math.sqrt %broadcast_in_dim3A_871 : vector<16x1xf32>
    %max3A_873 = arith.constant 9.99999996E-13 : f32
    %max3A_874 = vector.broadcast %max3A_873 : f32 to vector<16x1xf32>
    %max3A_875 = arith.maximumf %sqrt3A_872, %max3A_874 : vector<16x1xf32>
    %div3A_876 = vector.broadcast %max3A_875 : vector<16x1xf32> to vector<16x768xf32>
    %div3A_877 = arith.divf %dot_general3A_867, %div3A_876 : vector<16x768xf32>
    %swap3A_878 = arith.constant 30 : index
    %swap3A_879 = arith.constant 0 : index
    %swap3A_880 = arith.constant 0 : index
    %swap3A_881 = vector.load %arg3[%swap3A_878, %swap3A_879, %swap3A_880] : memref<32x16x768xf32, #tpu.memory_space<vmem>>, vector<1x16x768xf32>
    %swap3A_882 = vector.shape_cast %swap3A_881 : vector<1x16x768xf32> to vector<16x768xf32>
    %swap3A_883 = vector.shape_cast %div3A_877 : vector<16x768xf32> to vector<1x16x768xf32>
    tpu.vector_store %arg3[%swap3A_878, %swap3A_879, %swap3A_880], %swap3A_883 {strides = array<i32>} : memref<32x16x768xf32, #tpu.memory_space<vmem>>, vector<1x16x768xf32>,
    %slice3A_884 = vector.extract_strided_slice %convert_element_type3A_112 {offsets = [31, 0, 0], sizes = [1, 16, 32], strides = [1, 1, 1]} : vector<32x16x32xf32> to vector<1x16x32xf32>
    %squeeze3A_885 = vector.shape_cast %slice3A_884 : vector<1x16x32xf32> to vector<16x32xf32>
    %get3A_886 = arith.constant 31 : index
    %get3A_887 = arith.constant 0 : index
    %get3A_888 = arith.constant 0 : index
    %get3A_889 = vector.load %arg1[%get3A_886, %get3A_887, %get3A_888] : memref<32x32x768xf32, #tpu.memory_space<vmem>>, vector<1x32x768xf32>
    %get3A_890 = vector.shape_cast %get3A_889 : vector<1x32x768xf32> to vector<32x768xf32>
    %dot_general3A_891 = arith.constant dense<0.000000e+00> : vector<16x768xf32>
    %dot_general3A_892 = tpu.matmul %squeeze3A_885, %get3A_890, %dot_general3A_891 {dimension_numbers = #tpu.dot_dimension_numbers<[1], [0], [0], [1], [0, 0, 1, 1], [], []>, precision = #tpu.contract_precision<fp32>, transpose_lhs_hint = false} : vector<16x32xf32>, vector<32x768xf32>, vector<16x768xf32> -> vector<16x768xf32>
    %mul3A_893 = arith.mulf %dot_general3A_892, %dot_general3A_892 : vector<16x768xf32>
    %reduce_sum3A_894 = arith.constant dense<0.000000e+00> : vector<16xf32>
    %reduce_sum3A_895 = vector.multi_reduction <add>, %mul3A_893, %reduce_sum3A_894 [1] : vector<16x768xf32> to vector<16xf32>
    %broadcast_in_dim3A_896 = vector.shape_cast %reduce_sum3A_895 : vector<16xf32> to vector<16x1xf32>
    %sqrt3A_897 = math.sqrt %broadcast_in_dim3A_896 : vector<16x1xf32>
    %max3A_898 = arith.constant 9.99999996E-13 : f32
    %max3A_899 = vector.broadcast %max3A_898 : f32 to vector<16x1xf32>
    %max3A_900 = arith.maximumf %sqrt3A_897, %max3A_899 : vector<16x1xf32>
    %div3A_901 = vector.broadcast %max3A_900 : vector<16x1xf32> to vector<16x768xf32>
    %div3A_902 = arith.divf %dot_general3A_892, %div3A_901 : vector<16x768xf32>
    %swap3A_903 = arith.constant 31 : index
    %swap3A_904 = arith.constant 0 : index
    %swap3A_905 = arith.constant 0 : index
    %swap3A_906 = vector.load %arg3[%swap3A_903, %swap3A_904, %swap3A_905] : memref<32x16x768xf32, #tpu.memory_space<vmem>>, vector<1x16x768xf32>
    %swap3A_907 = vector.shape_cast %swap3A_906 : vector<1x16x768xf32> to vector<16x768xf32>
    %swap3A_908 = vector.shape_cast %div3A_902 : vector<16x768xf32> to vector<1x16x768xf32>
    tpu.vector_store %arg3[%swap3A_903, %swap3A_904, %swap3A_905], %swap3A_908 {strides = array<i32>} : memref<32x16x768xf32, #tpu.memory_space<vmem>>, vector<1x16x768xf32>,
    %broadcast_in_dim3A_909 = vector.shape_cast %dot_general3A_66 : vector<32x1xf32> to vector<32x1xf32>
    %broadcast_in_dim3A_910 = vector.broadcast %broadcast_in_dim3A_909 : vector<32x1xf32> to vector<32x128xf32>
    %swap3A_911 = arith.constant 0 : index
    %swap3A_912 = arith.constant 0 : index
    %swap3A_913 = vector.load %arg4[%swap3A_911, %swap3A_912] : memref<32x128xf32, #tpu.memory_space<vmem>>, vector<32x128xf32>
    tpu.vector_store %arg4[%swap3A_911, %swap3A_912], %broadcast_in_dim3A_910 {strides = array<i32>} : memref<32x128xf32, #tpu.memory_space<vmem>>, vector<32x128xf32>,
    return
  }
  func.func @transform_0(%arg0: i32) -> (i32, i32, i32) {
    %c0_i32 = arith.constant 0 : i32
    %c0_i32_0 = arith.constant 0 : i32
    %c0_i32_1 = arith.constant 0 : i32
    %c0_i32_2 = arith.constant 0 : i32
    return %c0_i32, %c0_i32_0, %c0_i32_1 : i32, i32, i32
  }
  func.func @transform_1(%arg0: i32) -> (i32, i32) {
    %c0_i32 = arith.constant 0 : i32
    %c0_i32_0 = arith.constant 0 : i32
    %c0_i32_1 = arith.constant 0 : i32
    return %c0_i32, %c0_i32_0 : i32, i32
  }
  func.func @transform_2(%arg0: i32) -> (i32, i32, i32) {
    %c0_i32 = arith.constant 0 : i32
    %c0_i32_0 = arith.constant 0 : i32
    %c0_i32_1 = arith.constant 0 : i32
    %c0_i32_2 = arith.constant 0 : i32
    return %c0_i32, %c0_i32_0, %c0_i32_1 : i32, i32, i32
  }
  func.func @transform_3(%arg0: i32) -> (i32, i32) {
    %c0_i32 = arith.constant 0 : i32
    %c0_i32_0 = arith.constant 0 : i32
    %c0_i32_1 = arith.constant 0 : i32
    return %c0_i32, %c0_i32_0 : i32, i32
  }
}

</mosaic_0001>

<sc_bundles>
// kernel: sparse-core-data-format-call.1.cloned.1.call-start
scs
called_computation.1_lowered:
.L_overlay_start_0:
0x0: {  	s1 =	sld [smem:$0x3FD9]  }
0x1: {  	s2 =	sld [smem:$0x3FFE];
	_ =	sdelay $0x1  }
0x2: {  	s3 =	srdreg.scid  }
0x3: {  	s0 =	sand.u32 $0x1, s3  }
0x4: {  	s17 =	sshll.u32 s0, $0xA;
	s1 =	sadd.s32 s2, s1  }
0x5: {  	s1 =	sadd.s32 s1, s17  }
0x6: {  	[smem:$0x3FB5] =	sst s1  }
0x7: {  	_ = 	snop  }
0x8: {  	(tm) =	ssettm $0x1  }
0x9: {  	s18 =	sld [smem:$0x3FFB];
	_ =	sdelay $0x3  }
0xa: {  	_ =	strace s18  }
0xb: {  	s1 =	sld [smem:$0x3FFC];
	_ =	sdelay $0x3  }
0xc: {  	_ =	strace s1  }
0xd: {  	s1 =	sld [smem:$0x3FFD];
	_ =	sdelay $0x3  }
0xe: {  	_ =	strace s1  }
0xf: {  	_ =	strace $0x8FFFFFFF  }
0x10: {  	s19 =	sld [smem:$0x3FDB];
	_ =	sdelay $0x1  }
0x11: {  	s20 =	simm.s32 $_scs_section_size  }
0x12: {  	s4 =	simm.s32 $_size__tile_overlayer_lowered;
	s5 =	simm.s32 $_tile_overlayer_lowered  }
0x13: {  	s23 =	simm.s32 $0x1BFF;
	s22 =	sshll.u32 s5, $0x1;
	s1 =	sadd.s32 s20, s19  }
0x14: {  	s6 =	simm.s32 $0x0;
	s21 =	sshll.u32 s4, $0x1;
	s4 =	sadd.s32 s22, s1  }
0x15: {  	[timem:s6], [sflag:s23] =	dma.local [hbm:s4], s21  }
0x16: {  	_ =	swait.ge [sflag:s23], s21  }
0x17: {  	s2 =	ssub.s32 $0x0, s21;
	[sflag:s23] =	ssyncset.done $0x0  }
0x18: {  	[sflag:s23] =	ssyncadd.s32 s2;
	_ =	sdelay $0x1  }
0x19: {  	s24 =	simm.s32 $0x1B8B  }
0x1a: {  	_ =	swait.ge [sflag:s24], $0x1  }
0x1b: {  	[sflag:s24] =	ssyncset.done $0x0  }
0x1c: {  	s26 =	simm.s32 $0x1B8E;
	s25 =	sld [smem:$0x3FFE];
	[sflag:s24] =	ssyncadd.s32 $0xFFFFFFFF  }
0x1d: {  	s27 =	simm.s32 $execute0_lowered;
	[smem:$0x3FD2] =	sst s26  }
0x1e: {  	s4 =	sshll.u32 s27, $0x1;
	_ =	strace $0x80000046;
	[dreg:$0x1] =	wrdreg $0xFFFFFFFF  }
0x1f: {  	s28 =	simm.s32 $_size_execute0_lowered;
	s1 =	sadd.s32 s1, s4;
	[dreg:$0x0] =	wrdreg $0x0  }
0x20: {  	s4 =	sshll.u32 s28, $0x1;
	[dreg:$0x2] =	wrdreg s1  }
0x21: {  	[dreg:$0x3] =	wrdreg s4  }
0x22: {  	[dreg:$0x4] =	wrdreg $0xC0  }
0x23: {  	_ =	task [dreg:s6], $0x5FFFF  }
0x24: {  	[dreg:$0x1] =	wrdreg $0xFFFFFFFF  }
0x25: {  	[dreg:$0x0] =	wrdreg $0x60  }
0x26: {  	[dreg:$0x2] =	wrdreg s25  }
0x27: {  	[dreg:$0x3] =	wrdreg $0x9  }
0x28: {  	_ =	task.clear_ibuf [dreg:s6], $0x4FFFF;
	_ =	strace $0x90000046  }
0x29: {  	s29 =	simm.s32 $0x9;
	_ =	strace $0x80000048  }
0x2a: {  	_ =	swait.ge [sflag:s29], $0x1  }
0x2b: {  	[sflag:s29] =	ssyncadd.s32 $0xFFFFFFFF  }
0x2c: {  	_ =	strace $0x90000048  }
0x2d: {  	_ =	sfence  }
0x2e: {  	s30 =	sld [smem:$0x0];
	_ =	sdelay $0x2  }
0x2f: {  	s31 =	sshll.u32 s3, $0xD;
	s3 =	sshrl.u32 s3, $0x2  }
0x30: {  	s2 =	sand.u32 $0x4000, s31;
	s1 =	sadd.s32 s3, s30  }
0x31: {  	s0 =	sor.u32 s2, s0;
	s1 =	sshll.u32 s1, $0x11  }
0x32: {  	s0 =	sor.u32 s1, s0  }
0x33: {  	s0 =	sadd.s32 $0x8F2B, s0  }
0x34: {  	[sflag:s0] =	ssyncadd.remote.s32 $0x1  }
0x35: {  	_ =	sfence.sel $0xFFFF  }
0x36: {  	[dreg:$0x0] =	wrdreg $0xFFFFFFFF;
	(pc) =	sbr.abs _section_cstart, $3  }
0x37: {  	[dreg:$0x1] =	wrdreg $0xFFFFFFFF  }
0x38: {  	_ =	task.clear_ibuf [dreg:s6], $0x2FFFF;
	_ =	strace $0x9FFFFFFF  }
0x39: {  	(tm) =	ssettm $0x7FFFFFFF  }
tec
execute0_lowered:
.L_overlay_start_1:
0x0: {  	(tag) =	ssettag $0x1  }
0x1: {  	s0 =	srdreg.scid  }
0x2: {  	s1 =	sshll.u32 s0, $0x4  }
0x3: {  	s4 =	rddreg [dreg:$0x0];
	s0 =	stileid.u32;
	s1 =	sand.u32 $0x10, s1  }
0x4: {  	s7 =	simm.s32 $0x1;
	s8 =	simm.s32 $0x2;
	s1 =	sor.u32 s0, s1  }
0x5: {  	s9 =	simm.s32 $0x0;
	s12 =	simm.s32 $0x0;
	s2 =	sshll.u32 s1, $0x1  }
0x6: {  	s11 =	simm.s32 $0x0;
	s3 =	sadd.s32 $0x27400, s4;
	s6 =	ssub.s32 $0x480, s2  }
.Ltmp0:
0x7: {  	s4 =	sadd.s32 $0x147400, s4;
	s5 =	sand.u32 $0x3E, s6;
	(pc) =	sbr.rel .LBB1_1-.Ltmp0, $4  }
0x8: {  	s1 =	rddreg [dreg:$0x1];
	_ =	strace $0x80000047;
	p0 =	sne.s32 s5, $0x0  }
0x9: {  	s6 =	sshrl.u32 s6, $0x6;
	s5 =	simm.s32 $0x1;
	s7 =	simm.s32 @!p0 $0x0  }
0xa: {  	s10 =	smov.u32 s2;
	[sflag:s5] =	ssyncpa.u1 $0x0;
	s6 =	sadd.s32 s7, s6  }
0xb: {  	[sflag:s8] =	ssyncpa.u1 $0x0;
	s8 =	simm.s32 $0x0;
	s7 =	sadd.s32 $0x1, s6  }
.LBB1_9:
0xc: {  	s14 =	sadd.s32 $0x40, s10  }
0xd: {  	p1 =	sgt.s32 s14, $0x47F  }
0xe: {  	s14 =	smov.u32 @p1 s2;
	p1 =	sne.s32 s11, s7  }
.Ltmp1:
0xf: {  	p0 =	slt.u32 s11, $0x2;
	(pc) =	sbr.rel @!p1 .LBB1_10-.Ltmp1, $4  }
0x10: {  	s13 =	simm.s32 @!p0 $0x2  }
0x11: {  	s15 =	sadd.s32 $0x1, s11;
	_ =	swait.ge @!p0 [sflag:s13], $0x4000  }
0x12: {  	s12 =	smov.u32 s10;
	s9 =	sadd.s32 $0x8000, s9;
	[sflag:s13] =	ssyncset.done @!p0 $0x0  }
0x13: {  	s11 =	smov.u32 s15;
	s10 =	smov.u32 s14;
	[sflag:s13] =	ssyncadd.s32 @!p0 $0xFFFFC000  }
.LBB1_1:
0x14: {  	p0 =	sge.u32 s11, s6  }
0x15: {  	s13 =	sxor.u32 @!p0 $0xFFFFFFFF, s11  }
0x16: {  	s31 =	sadd.s32 $0xFFFFFFFF, s11;
	s14 =	sshll.u32 @!p0 s10, $0xA;
	s13 =	sshll.u32 @!p0 s13, $0xE  }
0x17: {  	s15 =	simm.s32 @!p0 $0x0;
	s14 =	sadd.s32 @!p0 s3, s14;
	s13 =	sand.u32 @!p0 $0x4000, s13  }
0x18: {  	[tilespmem:s13], [sflag:$0x1] =	stream.linear.gather @!p0 [hbm4b:s14+s15], $0x4000, $0x38;
	[tilespmem:$0x10000] =	vst v63  }
0x19: {  	p0 =	sge.u32 s31, s6  }
.Ltmp2:
0x1a: {  	_ = 	snop;
	(pc) =	sbr.rel @p0 .LBB1_9-.Ltmp2, $1  }
0x1b: {  	_ =	sdelay $0x3  }
0x1c: {  	s13 =	sshll.u32 s9, $0x1  }
0x1d: {  	_ =	swait.ge [sflag:s5], $0x4000;
	s14 =	sshll.u32 s11, $0xE;
	s16 =	simm.s32 $0x0  }
0x1e: {  	p1 =	por $0x1, $0x1;
	s13 =	sand.u32 $0x10000, s13;
	[sflag:s5] =	ssyncset.done $0x0  }
0x1f: {  	s14 =	sand.u32 $0x4000, s14;
	s15 =	sshrl.u32 s13, $0x2;
	[sflag:s5] =	ssyncadd.s32 $0xFFFFC000  }
0x20: {  	s13 =	sor.u32 $0x8000, s14;
	s14 =	sadd.s32 $0x200, s15;
	s15 =	sadd.s32 $0x8400, s15  }
.LBB1_3:
0x21: {  	s17 =	sshra.s32 s16, $0x2;
	p0 =	por p1, p1  }
0x22: {  	s18 =	simm.s32 $0x0;
	s16 =	sadd.s32 s17, s14;
	s17 =	sadd.s32 s17, s15  }
.LBB1_4:
0x23: {  	v0 =	vld [tilespmem:s16+$0xFFFFFE70]  }
0x24: {  	v1 =	vld [tilespmem:s16+$0x70]  }
0x25: {  	v2 =	vld [tilespmem:s16+$0x0]  }
0x26: {  	v3 =	vld [tilespmem:s16+$0xFFFFFE10]  }
0x27: {  	v4 =	vld [tilespmem:s16+$0x10]  }
0x28: {  	v5 =	vld [tilespmem:s16+$0xFFFFFE20]  }
0x29: {  	v7 =	vld [tilespmem:s16+$0x20]  }
0x2a: {  	v11 =	vld [tilespmem:s16+$0x30];
	v6 =	vunpack.i.l.s16.s32 v0;
	v8 =	vunpack.i.u.s16.s32 v0;
	v9 =	vunpack.i.u.s16.s32 v1  }
0x2b: {  	v10 =	vunpack.i.l.s16.s32 v1;
	v0 =	vunpack.i.u.s16.s32 v2;
	v1 =	vunpack.i.l.s16.s32 v2;
	v2 =	vld [tilespmem:s16+$0xFFFFFE30]  }
0x2c: {  	v8 =	vpack.i.b32.b16 v9, v8;
	v9 =	vunpack.i.u.s16.s32 v3;
	v3 =	vunpack.i.l.s16.s32 v3  }
0x2d: {  	v12 =	vld [tilespmem:s16+$0xFFFFFE40];
	v6 =	vpack.i.b32.b16 v10, v6;
	[tilespmem:s17+$0x70] =	vst v8;
	v8 =	vunpack.i.u.s16.s32 v4;
	v4 =	vunpack.i.l.s16.s32 v4  }
0x2e: {  	v13 =	vld [tilespmem:s16+$0x40];
	v10 =	vunpack.i.u.s16.s32 v5;
	v5 =	vunpack.i.l.s16.s32 v5;
	[tilespmem:s17+$0xFFFFFC70] =	vst v6;
	v3 =	vpack.i.b32.b16 v4, v3  }
0x2f: {  	v6 =	vunpack.i.l.s16.s32 v7;
	v4 =	vld [tilespmem:s16+$0xFFFFFE50];
	[tilespmem:s17+$0xFFFFFC10] =	vst v3;
	v3 =	vpack.i.b32.b16 v8, v9;
	v8 =	vunpack.i.u.s16.s32 v7  }
0x30: {  	v7 =	vunpack.i.l.s16.s32 v11;
	[tilespmem:s17+$0x10] =	vst v3;
	v3 =	vpack.i.b32.b16 v6, v5;
	v9 =	vunpack.i.u.s16.s32 v2;
	v6 =	vld [tilespmem:s16+$0x50]  }
0x31: {  	v5 =	vunpack.i.l.s16.s32 v2;
	v2 =	vld [tilespmem:s16+$0xFFFFFE60];
	[tilespmem:s17+$0xFFFFFC20] =	vst v3;
	v3 =	vpack.i.b32.b16 v8, v10;
	v10 =	vunpack.i.u.s16.s32 v11  }
0x32: {  	s21 =	simm.s32 $0x0;
	v11 =	vpack.i.b32.b16 v7, v5;
	v7 =	vunpack.i.u.s16.s32 v12;
	v8 =	vunpack.i.l.s16.s32 v12;
	[tilespmem:s17+$0x20] =	vst v3;
	v3 =	vld [tilespmem:s16+$0x60]  }
0x33: {  	s22 =	sadd.s32 $0x80, s16;
	s20 =	smov.u32 s17;
	s19 =	smov.u32 s17;
	v5 =	vld [tilespmem:s16+$0xFFFFFE00];
	[tilespmem:s17+$0xFFFFFC30] =	vst v11;
	v10 =	vpack.i.b32.b16 v10, v9;
	v9 =	vunpack.i.u.s16.s32 v13;
	v11 =	vunpack.i.l.s16.s32 v13  }
.LBB1_5:
0x34: {  	v12 =	vld [tilespmem:s22+$0xFFFFFE70];
	[tilespmem:s20+$0x30] =	vst v10;
	v8 =	vpack.i.b32.b16 v11, v8;
	v10 =	vunpack.i.u.s16.s32 v4;
	v4 =	vunpack.i.l.s16.s32 v4  }
0x35: {  	s21 =	sadd.s32 $0x2, s21;
	v7 =	vpack.i.b32.b16 v9, v7;
	v11 =	vld [tilespmem:s22+$0x70];
	[tilespmem:s20+$0xFFFFFC40] =	vst v8;
	v8 =	vunpack.i.u.s16.s32 v6;
	v6 =	vunpack.i.l.s16.s32 v6  }
0x36: {  	p1 =	slt.u32 s21, $0x6;
	v9 =	vld [tilespmem:s22+$0x0];
	[tilespmem:s20+$0x40] =	vst v7;
	v4 =	vpack.i.b32.b16 v6, v4;
	v6 =	vunpack.i.u.s16.s32 v2;
	v2 =	vunpack.i.l.s16.s32 v2  }
0x37: {  	v7 =	vld [tilespmem:s22+$0xFFFFFE10];
	[tilespmem:s20+$0xFFFFFC50] =	vst v4;
	v4 =	vpack.i.b32.b16 v8, v10;
	v8 =	vunpack.i.u.s16.s32 v3;
	v3 =	vunpack.i.l.s16.s32 v3  }
0x38: {  	v10 =	vld [tilespmem:s22+$0x10];
	v13 =	vunpack.i.u.s16.s32 v5;
	v5 =	vunpack.i.l.s16.s32 v5;
	[tilespmem:s20+$0x50] =	vst v4;
	v2 =	vpack.i.b32.b16 v3, v2  }
0x39: {  	v3 =	vld [tilespmem:s22+$0xFFFFFE20];
	v4 =	vunpack.i.l.s16.s32 v12;
	v1 =	vpack.i.b32.b16 v1, v5;
	v5 =	vpack.i.b32.b16 v0, v13;
	[tilespmem:s20+$0xFFFFFC60] =	vst v2  }
0x3a: {  	v12 =	vunpack.i.u.s16.s32 v12;
	v2 =	vld [tilespmem:s22+$0x20];
	v13 =	vunpack.i.u.s16.s32 v11;
	v11 =	vunpack.i.l.s16.s32 v11;
	[tilespmem:s20+$0xFFFFFC00] =	vst v1  }
0x3b: {  	s20 =	sadd.s32 $0x800, s20;
	v0 =	vunpack.i.u.s16.s32 v9;
	v1 =	vunpack.i.l.s16.s32 v9;
	v9 =	vld [tilespmem:s22+$0xFFFFFE30];
	v12 =	vpack.i.b32.b16 v13, v12;
	[tilespmem:s19+$0x0] =	vst v5  }
0x3c: {  	v6 =	vpack.i.b32.b16 v8, v6;
	v5 =	vunpack.i.u.s16.s32 v7;
	v7 =	vunpack.i.l.s16.s32 v7;
	v13 =	vld [tilespmem:s22+$0x30];
	[tilespmem:s20+$0x70] =	vst v12  }
0x3d: {  	v4 =	vpack.i.b32.b16 v11, v4;
	v8 =	vunpack.i.u.s16.s32 v10;
	v10 =	vunpack.i.l.s16.s32 v10;
	v12 =	vld [tilespmem:s22+$0xFFFFFE40];
	[tilespmem:s19+$0x60] =	vst v6;
	s19 =	smov.u32 s20  }
0x3e: {  	v6 =	vpack.i.b32.b16 v10, v7;
	v7 =	vunpack.i.u.s16.s32 v3;
	v3 =	vunpack.i.l.s16.s32 v3;
	v11 =	vld [tilespmem:s22+$0x40];
	[tilespmem:s20+$0xFFFFFC70] =	vst v4  }
.Ltmp3:
0x3f: {  	v5 =	vpack.i.b32.b16 v8, v5;
	[tilespmem:s20+$0xFFFFFC10] =	vst v6;
	v8 =	vunpack.i.u.s16.s32 v2;
	v2 =	vunpack.i.l.s16.s32 v2;
	v4 =	vld [tilespmem:s22+$0xFFFFFE50];
	(pc) =	sbr.rel @p1 .LBB1_5-.Ltmp3, $4  }
0x40: {  	[tilespmem:s20+$0x10] =	vst v5;
	v2 =	vpack.i.b32.b16 v2, v3;
	v10 =	vunpack.i.u.s16.s32 v9;
	v3 =	vunpack.i.l.s16.s32 v9;
	v6 =	vld [tilespmem:s22+$0x50]  }
0x41: {  	v5 =	vpack.i.b32.b16 v8, v7;
	[tilespmem:s20+$0xFFFFFC20] =	vst v2;
	v9 =	vunpack.i.u.s16.s32 v13;
	v7 =	vunpack.i.l.s16.s32 v13;
	v2 =	vld [tilespmem:s22+$0xFFFFFE60]  }
0x42: {  	[tilespmem:s20+$0x20] =	vst v5;
	v13 =	vpack.i.b32.b16 v7, v3;
	v7 =	vunpack.i.u.s16.s32 v12;
	v8 =	vunpack.i.l.s16.s32 v12;
	v3 =	vld [tilespmem:s22+$0x60]  }
0x43: {  	v10 =	vpack.i.b32.b16 v9, v10;
	v5 =	vld [tilespmem:s22+$0xFFFFFE00];
	[tilespmem:s20+$0xFFFFFC30] =	vst v13;
	v9 =	vunpack.i.u.s16.s32 v11;
	v11 =	vunpack.i.l.s16.s32 v11;
	s22 =	sadd.s32 $0x80, s22  }
0x44: {  	[tilespmem:s20+$0x30] =	vst v10;
	v8 =	vpack.i.b32.b16 v11, v8  }
0x45: {  	v51 =	vunpack.i.l.s16.s32 v4;
	v7 =	vpack.i.b32.b16 v9, v7;
	[tilespmem:s20+$0xFFFFFC40] =	vst v8;
	v52 =	vunpack.i.l.s16.s32 v6  }
0x46: {  	v53 =	vunpack.i.u.s16.s32 v4;
	v54 =	vunpack.i.u.s16.s32 v6;
	[tilespmem:s20+$0x40] =	vst v7;
	v55 =	vpack.i.b32.b16 v52, v51  }
0x47: {  	p1 =	slt.u32 s18, $0xE;
	v56 =	vunpack.i.l.s16.s32 v2;
	v4 =	vpack.i.b32.b16 v54, v53;
	[tilespmem:s20+$0xFFFFFC50] =	vst v55;
	v57 =	vunpack.i.l.s16.s32 v3  }
.Ltmp4:
0x48: {  	[tilespmem:s20+$0x50] =	vst v4;
	v58 =	vunpack.i.l.s16.s32 v5;
	v59 =	vpack.i.b32.b16 v57, v56;
	(pc) =	sbr.rel @p1 .LBB1_4-.Ltmp4, $4  }
0x49: {  	v61 =	vunpack.i.u.s16.s32 v2;
	v62 =	vunpack.i.u.s16.s32 v3;
	v1 =	vpack.i.b32.b16 v1, v58;
	[tilespmem:s20+$0xFFFFFC60] =	vst v59  }
0x4a: {  	v60 =	vunpack.i.u.s16.s32 v5;
	v63 =	vpack.i.b32.b16 v62, v61;
	[tilespmem:s20+$0xFFFFFC00] =	vst v1  }
0x4b: {  	s31 =	sadd.s32 $0x2, s18;
	v0 =	vpack.i.b32.b16 v0, v60;
	[tilespmem:s19+$0x60] =	vst v63  }
0x4c: {  	s16 =	sadd.s32 $0x400, s16;
	s17 =	sadd.s32 $0x80, s17;
	s18 =	smov.u32 s31;
	[tilespmem:s19+$0x0] =	vst v0  }
.Ltmp5:
0x4d: {  	(pc) =	sbr.rel @p0 .LBB1_3-.Ltmp5, $2  }
0x4e: {  	_ =	sdelay $0x2  }
0x4f: {  	s16 =	simm.s32 $0x8000;
	p1 =	por $0x0, $0x0  }
.Ltmp6:
0x50: {  	(pc) =	sbr.rel .LBB1_9-.Ltmp6, $4  }
0x51: {  	_ = 	snop  }
0x52: {  	s12 =	sshll.u32 s12, $0xA  }
0x53: {  	s12 =	sadd.s32 s4, s12  }
0x54: {  	[hbm4b:s12+s8] =	stream.linear.scatter [tilespmem:s13], [sflag:$0x2], $0x4000, $0x38;
	[tilespmem:$0x10000] =	vst v63  }
.LBB1_10:
0x55: {  	_ =	sfence.sel $0x180000  }
0x56: {  	s2 =	simm.s32 $0x1;
	[bflag:$0x0] =	sbarrier.arrive $0xFFFF  }
0x57: {  	s31 =	simm.s32 $0x2;
	[sflag:s2] =	ssyncpa.u1 $0x1  }
0x58: {  	[sflag:s31] =	ssyncpa.u1 $0x1  }
0x59: {  	p0 =	sne.s32 s0, $0x0;
	_ =	strace $0x90000047  }
0x5a: {  	s0 =	sadd.s32 @!p0 $0x100000, s1;
	[bflag:$0x2] =	sbarrier.arrive $0xFFFF  }
0x5b: {  	[sflag:s0] =	ssyncadd.tile.s32 @!p0 $0x1;
	_ =	shalt  }
.Lfunc_end1:
_tile_overlayer_lowered:
.L_overlay_start_2:
0x5c: {  	(tag) =	ssettag $0x2  }
0x5d: {  	s0 =	rddreg [dreg:$0x0];
	s2 =	stileid.u32  }
0x5e: {  	s1 =	rddreg [dreg:$0x1];
	p0 =	sne.s32 s2, $0x0  }
0x5f: {  	s3 =	rddreg [dreg:$0x2];
	[bflag:$0x3] =	sbarrier.arrive $0xFFFF;
	s2 =	simm.s32 @!p0 $0x1C01  }
0x60: {  	[timem:s3], [sflag:s2] =	dma.local @!p0 [hbm:s0], s1  }
0x61: {  	s0 =	simm.s32 @!p0 $0x1  }
0x62: {  	_ =	swait.ge @!p0 [sflag:s0], s1  }
0x63: {  	s1 =	ssub.s32 @!p0 $0x0, s1;
	[sflag:s0] =	ssyncset.done @!p0 $0x0  }
0x64: {  	[sflag:s0] =	ssyncadd.s32 @!p0 s1  }
0x65: {  	[bflag:$0x3] =	sbarrier.arrive $0xFFFF  }
0x66: {  	_ =	shalt  }

// kernel: sparse-core-data-format-call.cloned.1.call-start
scs
called_computation_lowered:
.L_overlay_start_0:
0x0: {  	s1 =	sld [smem:$0x3FD9]  }
0x1: {  	s2 =	sld [smem:$0x3FFE];
	_ =	sdelay $0x1  }
0x2: {  	s3 =	srdreg.scid  }
0x3: {  	s0 =	sand.u32 $0x1, s3  }
0x4: {  	s17 =	sshll.u32 s0, $0xA;
	s1 =	sadd.s32 s2, s1  }
0x5: {  	s1 =	sadd.s32 s1, s17  }
0x6: {  	[smem:$0x3FB5] =	sst s1  }
0x7: {  	_ = 	snop  }
0x8: {  	(tm) =	ssettm $0x1  }
0x9: {  	s18 =	sld [smem:$0x3FFB];
	_ =	sdelay $0x3  }
0xa: {  	_ =	strace s18  }
0xb: {  	s1 =	sld [smem:$0x3FFC];
	_ =	sdelay $0x3  }
0xc: {  	_ =	strace s1  }
0xd: {  	s1 =	sld [smem:$0x3FFD];
	_ =	sdelay $0x3  }
0xe: {  	_ =	strace s1  }
0xf: {  	_ =	strace $0x8FFFFFFF  }
0x10: {  	s19 =	sld [smem:$0x3FDB];
	_ =	sdelay $0x1  }
0x11: {  	s20 =	simm.s32 $_scs_section_size  }
0x12: {  	s4 =	simm.s32 $_size__tile_overlayer_lowered;
	s5 =	simm.s32 $_tile_overlayer_lowered  }
0x13: {  	s23 =	simm.s32 $0x1BFF;
	s22 =	sshll.u32 s5, $0x1;
	s1 =	sadd.s32 s20, s19  }
0x14: {  	s6 =	simm.s32 $0x0;
	s21 =	sshll.u32 s4, $0x1;
	s4 =	sadd.s32 s22, s1  }
0x15: {  	[timem:s6], [sflag:s23] =	dma.local [hbm:s4], s21  }
0x16: {  	_ =	swait.ge [sflag:s23], s21  }
0x17: {  	s2 =	ssub.s32 $0x0, s21;
	[sflag:s23] =	ssyncset.done $0x0  }
0x18: {  	[sflag:s23] =	ssyncadd.s32 s2;
	_ =	sdelay $0x1  }
0x19: {  	s24 =	simm.s32 $0x1B8B  }
0x1a: {  	_ =	swait.ge [sflag:s24], $0x1  }
0x1b: {  	[sflag:s24] =	ssyncset.done $0x0  }
0x1c: {  	s26 =	simm.s32 $0x1B8E;
	s25 =	sld [smem:$0x3FFE];
	[sflag:s24] =	ssyncadd.s32 $0xFFFFFFFF  }
0x1d: {  	s27 =	simm.s32 $execute0_lowered;
	[smem:$0x3FD2] =	sst s26  }
0x1e: {  	s4 =	sshll.u32 s27, $0x1;
	_ =	strace $0x80000049;
	[dreg:$0x1] =	wrdreg $0xFFFFFFFF  }
0x1f: {  	s28 =	simm.s32 $_size_execute0_lowered;
	s1 =	sadd.s32 s1, s4;
	[dreg:$0x0] =	wrdreg $0x0  }
0x20: {  	s4 =	sshll.u32 s28, $0x1;
	[dreg:$0x2] =	wrdreg s1  }
0x21: {  	[dreg:$0x3] =	wrdreg s4  }
0x22: {  	[dreg:$0x4] =	wrdreg $0xC0  }
0x23: {  	_ =	task [dreg:s6], $0x5FFFF  }
0x24: {  	[dreg:$0x1] =	wrdreg $0xFFFFFFFF  }
0x25: {  	[dreg:$0x0] =	wrdreg $0x60  }
0x26: {  	[dreg:$0x2] =	wrdreg s25  }
0x27: {  	[dreg:$0x3] =	wrdreg $0x9  }
0x28: {  	_ =	task.clear_ibuf [dreg:s6], $0x4FFFF;
	_ =	strace $0x90000049  }
0x29: {  	s29 =	simm.s32 $0x9;
	_ =	strace $0x8000004B  }
0x2a: {  	_ =	swait.ge [sflag:s29], $0x1  }
0x2b: {  	[sflag:s29] =	ssyncadd.s32 $0xFFFFFFFF  }
0x2c: {  	_ =	strace $0x9000004B  }
0x2d: {  	_ =	sfence  }
0x2e: {  	s30 =	sld [smem:$0x0];
	_ =	sdelay $0x2  }
0x2f: {  	s31 =	sshll.u32 s3, $0xD;
	s3 =	sshrl.u32 s3, $0x2  }
0x30: {  	s2 =	sand.u32 $0x4000, s31;
	s1 =	sadd.s32 s3, s30  }
0x31: {  	s0 =	sor.u32 s2, s0;
	s1 =	sshll.u32 s1, $0x11  }
0x32: {  	s0 =	sor.u32 s1, s0  }
0x33: {  	s0 =	sadd.s32 $0x8F2B, s0  }
0x34: {  	[sflag:s0] =	ssyncadd.remote.s32 $0x1  }
0x35: {  	_ =	sfence.sel $0xFFFF  }
0x36: {  	[dreg:$0x0] =	wrdreg $0xFFFFFFFF;
	(pc) =	sbr.abs _section_cstart, $3  }
0x37: {  	[dreg:$0x1] =	wrdreg $0xFFFFFFFF  }
0x38: {  	_ =	task.clear_ibuf [dreg:s6], $0x2FFFF;
	_ =	strace $0x9FFFFFFF  }
0x39: {  	(tm) =	ssettm $0x7FFFFFFF  }
tec
execute0_lowered:
.L_overlay_start_1:
0x0: {  	(tag) =	ssettag $0x1  }
0x1: {  	s0 =	srdreg.scid  }
0x2: {  	s1 =	sshll.u32 s0, $0x4  }
0x3: {  	s4 =	rddreg [dreg:$0x0];
	s0 =	stileid.u32;
	s1 =	sand.u32 $0x10, s1  }
0x4: {  	s7 =	simm.s32 $0x1;
	s8 =	simm.s32 $0x2;
	s1 =	sor.u32 s0, s1  }
0x5: {  	s9 =	simm.s32 $0x0;
	s12 =	simm.s32 $0x0;
	s2 =	sshll.u32 s1, $0x1  }
0x6: {  	s11 =	simm.s32 $0x0;
	s3 =	sadd.s32 $0x7000, s4;
	s6 =	ssub.s32 $0x480, s2  }
.Ltmp0:
0x7: {  	s4 =	sadd.s32 $0x2F8A00, s4;
	s5 =	sand.u32 $0x3E, s6;
	(pc) =	sbr.rel .LBB1_1-.Ltmp0, $4  }
0x8: {  	s1 =	rddreg [dreg:$0x1];
	_ =	strace $0x8000004A;
	p0 =	sne.s32 s5, $0x0  }
0x9: {  	s6 =	sshrl.u32 s6, $0x6;
	s5 =	simm.s32 $0x1;
	s7 =	simm.s32 @!p0 $0x0  }
0xa: {  	s10 =	smov.u32 s2;
	[sflag:s5] =	ssyncpa.u1 $0x0;
	s6 =	sadd.s32 s7, s6  }
0xb: {  	[sflag:s8] =	ssyncpa.u1 $0x0;
	s8 =	simm.s32 $0x0;
	s7 =	sadd.s32 $0x1, s6  }
.LBB1_9:
0xc: {  	s14 =	sadd.s32 $0x40, s10  }
0xd: {  	p1 =	sgt.s32 s14, $0x47F  }
0xe: {  	s14 =	smov.u32 @p1 s2;
	p1 =	sne.s32 s11, s7  }
.Ltmp1:
0xf: {  	p0 =	slt.u32 s11, $0x2;
	(pc) =	sbr.rel @!p1 .LBB1_10-.Ltmp1, $4  }
0x10: {  	s13 =	simm.s32 @!p0 $0x2  }
0x11: {  	s15 =	sadd.s32 $0x1, s11;
	_ =	swait.ge @!p0 [sflag:s13], $0x4000  }
0x12: {  	s12 =	smov.u32 s10;
	s9 =	sadd.s32 $0x8000, s9;
	[sflag:s13] =	ssyncset.done @!p0 $0x0  }
0x13: {  	s11 =	smov.u32 s15;
	s10 =	smov.u32 s14;
	[sflag:s13] =	ssyncadd.s32 @!p0 $0xFFFFC000  }
.LBB1_1:
0x14: {  	p0 =	sge.u32 s11, s6  }
0x15: {  	s13 =	sxor.u32 @!p0 $0xFFFFFFFF, s11  }
0x16: {  	s31 =	sadd.s32 $0xFFFFFFFF, s11;
	s14 =	sshll.u32 @!p0 s10, $0xA;
	s13 =	sshll.u32 @!p0 s13, $0xE  }
0x17: {  	s15 =	simm.s32 @!p0 $0x0;
	s14 =	sadd.s32 @!p0 s3, s14;
	s13 =	sand.u32 @!p0 $0x4000, s13  }
0x18: {  	[tilespmem:s13], [sflag:$0x1] =	stream.linear.gather @!p0 [hbm4b:s14+s15], $0x4000, $0x38;
	[tilespmem:$0x10000] =	vst v63  }
0x19: {  	p0 =	sge.u32 s31, s6  }
.Ltmp2:
0x1a: {  	_ = 	snop;
	(pc) =	sbr.rel @p0 .LBB1_9-.Ltmp2, $1  }
0x1b: {  	_ =	sdelay $0x3  }
0x1c: {  	s13 =	sshll.u32 s9, $0x1  }
0x1d: {  	_ =	swait.ge [sflag:s5], $0x4000;
	s14 =	sshll.u32 s11, $0xE;
	s16 =	simm.s32 $0x0  }
0x1e: {  	p1 =	por $0x1, $0x1;
	s13 =	sand.u32 $0x10000, s13;
	[sflag:s5] =	ssyncset.done $0x0  }
0x1f: {  	s14 =	sand.u32 $0x4000, s14;
	s15 =	sshrl.u32 s13, $0x2;
	[sflag:s5] =	ssyncadd.s32 $0xFFFFC000  }
0x20: {  	s13 =	sor.u32 $0x8000, s14;
	s14 =	sadd.s32 $0x200, s15;
	s15 =	sadd.s32 $0x8400, s15  }
.LBB1_3:
0x21: {  	s17 =	sshra.s32 s16, $0x2;
	p0 =	por p1, p1  }
0x22: {  	s18 =	simm.s32 $0x0;
	s16 =	sadd.s32 s17, s14;
	s17 =	sadd.s32 s17, s15  }
.LBB1_4:
0x23: {  	v0 =	vld [tilespmem:s16+$0xFFFFFE70]  }
0x24: {  	v1 =	vld [tilespmem:s16+$0x70]  }
0x25: {  	v2 =	vld [tilespmem:s16+$0x0]  }
0x26: {  	v3 =	vld [tilespmem:s16+$0xFFFFFE10]  }
0x27: {  	v4 =	vld [tilespmem:s16+$0x10]  }
0x28: {  	v5 =	vld [tilespmem:s16+$0xFFFFFE20]  }
0x29: {  	v7 =	vld [tilespmem:s16+$0x20]  }
0x2a: {  	v11 =	vld [tilespmem:s16+$0x30];
	v6 =	vunpack.i.l.s16.s32 v0;
	v8 =	vunpack.i.u.s16.s32 v0;
	v9 =	vunpack.i.u.s16.s32 v1  }
0x2b: {  	v10 =	vunpack.i.l.s16.s32 v1;
	v0 =	vunpack.i.u.s16.s32 v2;
	v1 =	vunpack.i.l.s16.s32 v2;
	v2 =	vld [tilespmem:s16+$0xFFFFFE30]  }
0x2c: {  	v8 =	vpack.i.b32.b16 v9, v8;
	v9 =	vunpack.i.u.s16.s32 v3;
	v3 =	vunpack.i.l.s16.s32 v3  }
0x2d: {  	v12 =	vld [tilespmem:s16+$0xFFFFFE40];
	v6 =	vpack.i.b32.b16 v10, v6;
	[tilespmem:s17+$0x70] =	vst v8;
	v8 =	vunpack.i.u.s16.s32 v4;
	v4 =	vunpack.i.l.s16.s32 v4  }
0x2e: {  	v13 =	vld [tilespmem:s16+$0x40];
	v10 =	vunpack.i.u.s16.s32 v5;
	v5 =	vunpack.i.l.s16.s32 v5;
	[tilespmem:s17+$0xFFFFFC70] =	vst v6;
	v3 =	vpack.i.b32.b16 v4, v3  }
0x2f: {  	v6 =	vunpack.i.l.s16.s32 v7;
	v4 =	vld [tilespmem:s16+$0xFFFFFE50];
	[tilespmem:s17+$0xFFFFFC10] =	vst v3;
	v3 =	vpack.i.b32.b16 v8, v9;
	v8 =	vunpack.i.u.s16.s32 v7  }
0x30: {  	v7 =	vunpack.i.l.s16.s32 v11;
	[tilespmem:s17+$0x10] =	vst v3;
	v3 =	vpack.i.b32.b16 v6, v5;
	v9 =	vunpack.i.u.s16.s32 v2;
	v6 =	vld [tilespmem:s16+$0x50]  }
0x31: {  	v5 =	vunpack.i.l.s16.s32 v2;
	v2 =	vld [tilespmem:s16+$0xFFFFFE60];
	[tilespmem:s17+$0xFFFFFC20] =	vst v3;
	v3 =	vpack.i.b32.b16 v8, v10;
	v10 =	vunpack.i.u.s16.s32 v11  }
0x32: {  	s21 =	simm.s32 $0x0;
	v11 =	vpack.i.b32.b16 v7, v5;
	v7 =	vunpack.i.u.s16.s32 v12;
	v8 =	vunpack.i.l.s16.s32 v12;
	[tilespmem:s17+$0x20] =	vst v3;
	v3 =	vld [tilespmem:s16+$0x60]  }
0x33: {  	s22 =	sadd.s32 $0x80, s16;
	s20 =	smov.u32 s17;
	s19 =	smov.u32 s17;
	v5 =	vld [tilespmem:s16+$0xFFFFFE00];
	[tilespmem:s17+$0xFFFFFC30] =	vst v11;
	v10 =	vpack.i.b32.b16 v10, v9;
	v9 =	vunpack.i.u.s16.s32 v13;
	v11 =	vunpack.i.l.s16.s32 v13  }
.LBB1_5:
0x34: {  	v12 =	vld [tilespmem:s22+$0xFFFFFE70];
	[tilespmem:s20+$0x30] =	vst v10;
	v8 =	vpack.i.b32.b16 v11, v8;
	v10 =	vunpack.i.u.s16.s32 v4;
	v4 =	vunpack.i.l.s16.s32 v4  }
0x35: {  	s21 =	sadd.s32 $0x2, s21;
	v7 =	vpack.i.b32.b16 v9, v7;
	v11 =	vld [tilespmem:s22+$0x70];
	[tilespmem:s20+$0xFFFFFC40] =	vst v8;
	v8 =	vunpack.i.u.s16.s32 v6;
	v6 =	vunpack.i.l.s16.s32 v6  }
0x36: {  	p1 =	slt.u32 s21, $0x6;
	v9 =	vld [tilespmem:s22+$0x0];
	[tilespmem:s20+$0x40] =	vst v7;
	v4 =	vpack.i.b32.b16 v6, v4;
	v6 =	vunpack.i.u.s16.s32 v2;
	v2 =	vunpack.i.l.s16.s32 v2  }
0x37: {  	v7 =	vld [tilespmem:s22+$0xFFFFFE10];
	[tilespmem:s20+$0xFFFFFC50] =	vst v4;
	v4 =	vpack.i.b32.b16 v8, v10;
	v8 =	vunpack.i.u.s16.s32 v3;
	v3 =	vunpack.i.l.s16.s32 v3  }
0x38: {  	v10 =	vld [tilespmem:s22+$0x10];
	v13 =	vunpack.i.u.s16.s32 v5;
	v5 =	vunpack.i.l.s16.s32 v5;
	[tilespmem:s20+$0x50] =	vst v4;
	v2 =	vpack.i.b32.b16 v3, v2  }
0x39: {  	v3 =	vld [tilespmem:s22+$0xFFFFFE20];
	v4 =	vunpack.i.l.s16.s32 v12;
	v1 =	vpack.i.b32.b16 v1, v5;
	v5 =	vpack.i.b32.b16 v0, v13;
	[tilespmem:s20+$0xFFFFFC60] =	vst v2  }
0x3a: {  	v12 =	vunpack.i.u.s16.s32 v12;
	v2 =	vld [tilespmem:s22+$0x20];
	v13 =	vunpack.i.u.s16.s32 v11;
	v11 =	vunpack.i.l.s16.s32 v11;
	[tilespmem:s20+$0xFFFFFC00] =	vst v1  }
0x3b: {  	s20 =	sadd.s32 $0x800, s20;
	v0 =	vunpack.i.u.s16.s32 v9;
	v1 =	vunpack.i.l.s16.s32 v9;
	v9 =	vld [tilespmem:s22+$0xFFFFFE30];
	v12 =	vpack.i.b32.b16 v13, v12;
	[tilespmem:s19+$0x0] =	vst v5  }
0x3c: {  	v6 =	vpack.i.b32.b16 v8, v6;
	v5 =	vunpack.i.u.s16.s32 v7;
	v7 =	vunpack.i.l.s16.s32 v7;
	v13 =	vld [tilespmem:s22+$0x30];
	[tilespmem:s20+$0x70] =	vst v12  }
0x3d: {  	v4 =	vpack.i.b32.b16 v11, v4;
	v8 =	vunpack.i.u.s16.s32 v10;
	v10 =	vunpack.i.l.s16.s32 v10;
	v12 =	vld [tilespmem:s22+$0xFFFFFE40];
	[tilespmem:s19+$0x60] =	vst v6;
	s19 =	smov.u32 s20  }
0x3e: {  	v6 =	vpack.i.b32.b16 v10, v7;
	v7 =	vunpack.i.u.s16.s32 v3;
	v3 =	vunpack.i.l.s16.s32 v3;
	v11 =	vld [tilespmem:s22+$0x40];
	[tilespmem:s20+$0xFFFFFC70] =	vst v4  }
.Ltmp3:
0x3f: {  	v5 =	vpack.i.b32.b16 v8, v5;
	[tilespmem:s20+$0xFFFFFC10] =	vst v6;
	v8 =	vunpack.i.u.s16.s32 v2;
	v2 =	vunpack.i.l.s16.s32 v2;
	v4 =	vld [tilespmem:s22+$0xFFFFFE50];
	(pc) =	sbr.rel @p1 .LBB1_5-.Ltmp3, $4  }
0x40: {  	[tilespmem:s20+$0x10] =	vst v5;
	v2 =	vpack.i.b32.b16 v2, v3;
	v10 =	vunpack.i.u.s16.s32 v9;
	v3 =	vunpack.i.l.s16.s32 v9;
	v6 =	vld [tilespmem:s22+$0x50]  }
0x41: {  	v5 =	vpack.i.b32.b16 v8, v7;
	[tilespmem:s20+$0xFFFFFC20] =	vst v2;
	v9 =	vunpack.i.u.s16.s32 v13;
	v7 =	vunpack.i.l.s16.s32 v13;
	v2 =	vld [tilespmem:s22+$0xFFFFFE60]  }
0x42: {  	[tilespmem:s20+$0x20] =	vst v5;
	v13 =	vpack.i.b32.b16 v7, v3;
	v7 =	vunpack.i.u.s16.s32 v12;
	v8 =	vunpack.i.l.s16.s32 v12;
	v3 =	vld [tilespmem:s22+$0x60]  }
0x43: {  	v10 =	vpack.i.b32.b16 v9, v10;
	v5 =	vld [tilespmem:s22+$0xFFFFFE00];
	[tilespmem:s20+$0xFFFFFC30] =	vst v13;
	v9 =	vunpack.i.u.s16.s32 v11;
	v11 =	vunpack.i.l.s16.s32 v11;
	s22 =	sadd.s32 $0x80, s22  }
0x44: {  	[tilespmem:s20+$0x30] =	vst v10;
	v8 =	vpack.i.b32.b16 v11, v8  }
0x45: {  	v51 =	vunpack.i.l.s16.s32 v4;
	v7 =	vpack.i.b32.b16 v9, v7;
	[tilespmem:s20+$0xFFFFFC40] =	vst v8;
	v52 =	vunpack.i.l.s16.s32 v6  }
0x46: {  	v53 =	vunpack.i.u.s16.s32 v4;
	v54 =	vunpack.i.u.s16.s32 v6;
	[tilespmem:s20+$0x40] =	vst v7;
	v55 =	vpack.i.b32.b16 v52, v51  }
0x47: {  	p1 =	slt.u32 s18, $0xE;
	v56 =	vunpack.i.l.s16.s32 v2;
	v4 =	vpack.i.b32.b16 v54, v53;
	[tilespmem:s20+$0xFFFFFC50] =	vst v55;
	v57 =	vunpack.i.l.s16.s32 v3  }
.Ltmp4:
0x48: {  	[tilespmem:s20+$0x50] =	vst v4;
	v58 =	vunpack.i.l.s16.s32 v5;
	v59 =	vpack.i.b32.b16 v57, v56;
	(pc) =	sbr.rel @p1 .LBB1_4-.Ltmp4, $4  }
0x49: {  	v61 =	vunpack.i.u.s16.s32 v2;
	v62 =	vunpack.i.u.s16.s32 v3;
	v1 =	vpack.i.b32.b16 v1, v58;
	[tilespmem:s20+$0xFFFFFC60] =	vst v59  }
0x4a: {  	v60 =	vunpack.i.u.s16.s32 v5;
	v63 =	vpack.i.b32.b16 v62, v61;
	[tilespmem:s20+$0xFFFFFC00] =	vst v1  }
0x4b: {  	s31 =	sadd.s32 $0x2, s18;
	v0 =	vpack.i.b32.b16 v0, v60;
	[tilespmem:s19+$0x60] =	vst v63  }
0x4c: {  	s16 =	sadd.s32 $0x400, s16;
	s17 =	sadd.s32 $0x80, s17;
	s18 =	smov.u32 s31;
	[tilespmem:s19+$0x0] =	vst v0  }
.Ltmp5:
0x4d: {  	(pc) =	sbr.rel @p0 .LBB1_3-.Ltmp5, $2  }
0x4e: {  	_ =	sdelay $0x2  }
0x4f: {  	s16 =	simm.s32 $0x8000;
	p1 =	por $0x0, $0x0  }
.Ltmp6:
0x50: {  	(pc) =	sbr.rel .LBB1_9-.Ltmp6, $4  }
0x51: {  	_ = 	snop  }
0x52: {  	s12 =	sshll.u32 s12, $0xA  }
0x53: {  	s12 =	sadd.s32 s4, s12  }
0x54: {  	[hbm4b:s12+s8] =	stream.linear.scatter [tilespmem:s13], [sflag:$0x2], $0x4000, $0x38;
	[tilespmem:$0x10000] =	vst v63  }
.LBB1_10:
0x55: {  	_ =	sfence.sel $0x180000  }
0x56: {  	s2 =	simm.s32 $0x1;
	[bflag:$0x0] =	sbarrier.arrive $0xFFFF  }
0x57: {  	s31 =	simm.s32 $0x2;
	[sflag:s2] =	ssyncpa.u1 $0x1  }
0x58: {  	[sflag:s31] =	ssyncpa.u1 $0x1  }
0x59: {  	p0 =	sne.s32 s0, $0x0;
	_ =	strace $0x9000004A  }
0x5a: {  	s0 =	sadd.s32 @!p0 $0x100000, s1;
	[bflag:$0x2] =	sbarrier.arrive $0xFFFF  }
0x5b: {  	[sflag:s0] =	ssyncadd.tile.s32 @!p0 $0x1;
	_ =	shalt  }
.Lfunc_end1:
_tile_overlayer_lowered:
.L_overlay_start_2:
0x5c: {  	(tag) =	ssettag $0x2  }
0x5d: {  	s0 =	rddreg [dreg:$0x0];
	s2 =	stileid.u32  }
0x5e: {  	s1 =	rddreg [dreg:$0x1];
	p0 =	sne.s32 s2, $0x0  }
0x5f: {  	s3 =	rddreg [dreg:$0x2];
	[bflag:$0x3] =	sbarrier.arrive $0xFFFF;
	s2 =	simm.s32 @!p0 $0x1C01  }
0x60: {  	[timem:s3], [sflag:s2] =	dma.local @!p0 [hbm:s0], s1  }
0x61: {  	s0 =	simm.s32 @!p0 $0x1  }
0x62: {  	_ =	swait.ge @!p0 [sflag:s0], s1  }
0x63: {  	s1 =	ssub.s32 @!p0 $0x0, s1;
	[sflag:s0] =	ssyncset.done @!p0 $0x0  }
0x64: {  	[sflag:s0] =	ssyncadd.s32 @!p0 s1  }
0x65: {  	[bflag:$0x3] =	sbarrier.arrive $0xFFFF  }
0x66: {  	_ =	shalt  }

</sc_bundles>
